<compile_context>
chip_gen: v7x
topology: tpu7x:2x2x1
jax: 0.10.2.dev20260603
libtpu: 0.0.44.dev20260713+nightly
codegen_flags: <defaults>
</compile_context>

<pallas_src>
import jax
import jax.numpy as jnp
from jax import lax
from jax.experimental import pallas as pl
from jax.experimental.pallas import tpu as pltpu
from jax.experimental.pallas import tpu_sc as plsc

_F = 128
_B = 8
_N = 5000
_ROW_W = _N * 5
_CHUNK = 1250
_VECS2 = 40
_ROW_PAD = 25216
_GRID = _F * _F


def _sc_scatter_body(preds_hbm, out_hbm, row_v, grid_v, sidx_v4, sem):
    nc = 2
    wid = lax.axis_index("s") * nc + lax.axis_index("c")
    b = wid // 4
    q = wid % 4

    dma = pltpu.async_copy(preds_hbm.at[b], row_v, sem)

    zeros16 = jnp.zeros((16,), jnp.float32)

    def _zero(i, _):
        for u in range(8):
            grid_v[i, pl.ds(u * 16, 16)] = zeros16
        return 0

    lax.fori_loop(0, _F, _zero, 0)
    dma.wait()

    lanes = lax.broadcasted_iota(jnp.int32, (16,), 0)
    lane4 = lanes * 4
    group_masks = [(lanes >> 2) == g for g in range(4)]
    base_q = q * (_CHUNK * 5)

    def _half(base, boxid0, soff):
        field = lanes * 5 + base
        c = plsc.load_gather(row_v, [field])
        x1 = plsc.load_gather(row_v, [field + 1])
        y1 = plsc.load_gather(row_v, [field + 2])
        x2 = plsc.load_gather(row_v, [field + 3])
        y2 = plsc.load_gather(row_v, [field + 4])

        ix1 = (x1 * _F).astype(jnp.int32)
        iy1 = (y1 * _F).astype(jnp.int32)
        ix2 = (x2 * _F).astype(jnp.int32)
        iy2 = (y2 * _F).astype(jnp.int32)

        in_range = (boxid0 + lanes) < _CHUNK
        valid = (ix2 > ix1) & (iy2 > iy1) & in_range
        cm = jnp.where(valid, c, 0.0)

        r1 = iy1 * _F
        r2 = iy2 * _F
        plsc.store_scatter(row_v, [field], cm)
        plsc.store_scatter(sidx_v4, [soff + lane4], r1 + ix1)
        plsc.store_scatter(sidx_v4, [soff + lane4 + 1], r1 + ix2)
        plsc.store_scatter(sidx_v4, [soff + lane4 + 2], r2 + ix1)
        plsc.store_scatter(sidx_v4, [soff + lane4 + 3], r2 + ix2)

        grp = lanes >> 2
        sign = jnp.where((lanes & 3) == 0, 1.0,
                         jnp.where((lanes & 3) == 3, 1.0, -1.0))
        for k in range(4):
            idxv = sidx_v4[pl.ds(soff + k * 16, 16)]
            cq = plsc.load_gather(row_v, [base + (k * 4 + grp) * 5])
            valv = cq * sign
            rowv = idxv >> 7
            colv = idxv & (_F - 1)
            for g in range(4):
                plsc.addupdate_scatter(grid_v, [rowv, colv], valv,
                                       mask=group_masks[g])

    @plsc.parallel_loop(0, _VECS2, unroll=2)
    def _step(i):
        base = base_q + i * 160
        soff = (i & 3) * 160
        _half(base, i * 32, soff)
        _half(base + 80, i * 32 + 16, soff + 80)

    pltpu.sync_copy(grid_v, out_hbm.at[b, q])


def _sc_scatter(preds):
    mesh = plsc.VectorSubcoreMesh(core_axis_name="c", subcore_axis_name="s")
    return pl.kernel(
        _sc_scatter_body,
        out_type=jax.ShapeDtypeStruct((_B, 4, _F, _F), jnp.float32),
        mesh=mesh,
        scratch_types=[
            pltpu.VMEM((_ROW_PAD,), jnp.float32),
            pltpu.VMEM((_F, _F), jnp.float32),
            pltpu.VMEM((656,), jnp.int32),
            pltpu.SemaphoreType.DMA,
        ],
        compiler_params=pltpu.CompilerParams(needs_layout_passes=False),
    )(jnp.pad(preds.reshape(_B, _N * 5), ((0, 0), (0, _ROW_PAD - _ROW_W))))


def _tc_finish_kernel(g_ref, out_ref):
    row = lax.broadcasted_iota(jnp.int32, (_F, _F), 0)
    col = lax.broadcasted_iota(jnp.int32, (_F, _F), 1)
    tri = (col <= row).astype(jnp.float32)
    for b in range(_B):
        g = g_ref[b]
        grid = g[0] + g[1] + g[2] + g[3]
        cy = jax.lax.dot_general(tri, grid, (((1,), (0,)), ((), ())),
                                 preferred_element_type=jnp.float32)
        cxy = jax.lax.dot_general(cy, tri, (((1,), (1,)), ((), ())),
                                  preferred_element_type=jnp.float32)
        out_ref[b] = jax.nn.sigmoid(cxy)


def _tc_finish(partials):
    return pl.pallas_call(
        _tc_finish_kernel,
        out_shape=jax.ShapeDtypeStruct((_B, _F, _F), jnp.float32),
    )(partials)


def kernel(preds):
    return _tc_finish(_sc_scatter(preds))

# --- scband reference (transcript-rebuilt; emitter-appended) ---
"""Pipeline reference for scband-bbox-semantic-att-75239237091987 (READ-ONLY COPY).

The authoritative reference and input builder live on the scoring server;
editing this copy changes nothing except your own understanding.
"""

import jax, jax.numpy as jnp
import numpy as np

FEAT_SIZE = 128


def setup_inputs(seed: int = 0) -> dict:
    key = jax.random.key(seed)
    # preds: [B, N, 5]; col 0 = confidence, last 4 cols = normalized x1,y1,x2,y2 in [0,1)
    preds = jax.random.uniform(key, (8, 5000, 5), dtype=jnp.float32)
    return {"preds": preds}


def reference(preds):
    # Faithful translation of the torch 'else' branch (bbox_semantic_att_type not in
    # {CSAM, TGAM, EMA, TEAM}): for every predicted box, add its confidence to the
    # region track_conf_map[y1:y2, x1:x2], then apply sigmoid.
    # Implemented as a 2D prefix-sum scatter (exactly equivalent to the region adds):
    #   +c at (y1,x1), -c at (y1,x2), -c at (y2,x1), +c at (y2,x2), then cumsum y, cumsum x.
    F = FEAT_SIZE
    B, N, _ = preds.shape
    confs = preds[:, :, 0]                                   # [B, N]
    bboxes = jnp.floor(preds[:, :, -4:] * F).astype(jnp.int32)  # [B, N, 4]
    x1 = bboxes[..., 0]
    y1 = bboxes[..., 1]
    x2 = bboxes[..., 2]
    y2 = bboxes[..., 3]
    # torch slicing [y1:y2, x1:x2] with y2<=y1 or x2<=x1 adds nothing -> mask those boxes
    valid = ((x2 > x1) & (y2 > y1)).astype(confs.dtype)
    c = confs * valid                                        # [B, N]
    b_idx = jnp.broadcast_to(jnp.arange(B)[:, None], (B, N))
    grid = jnp.zeros((B, F + 1, F + 1), dtype=confs.dtype)
    grid = grid.at[b_idx, y1, x1].add(c)
    grid = grid.at[b_idx, y1, x2].add(-c)
    grid = grid.at[b_idx, y2, x1].add(-c)
    grid = grid.at[b_idx, y2, x2].add(c)
    track_conf_maps = jnp.cumsum(jnp.cumsum(grid, axis=1), axis=2)[:, :F, :F]
    return jax.nn.sigmoid(track_conf_maps)                   # [B, F, F]

if __name__ == "__main__":
    import jax
    _d = setup_inputs()
    print(jax.jit(kernel)(*tuple(_d.values())))

</pallas_src>

<mosaic_0001>
#map = affine_map<(d0, d1) -> (0, 0)>
#map1 = affine_map<(d0, d1) -> (0, 0, 0, 0)>
module attributes {stable_mosaic.version = 14 : i64} {
  func.func @_sc_scatter_body(%arg0: i32, %arg1: i32, %arg2: memref<8x25216xf32, #tpu.memory_space<hbm>>, %arg3: memref<8x4x128x128xf32, #tpu.memory_space<hbm>>, %arg4: memref<25216xf32, #tpu.memory_space<vmem>>, %arg5: memref<128x128xf32, #tpu.memory_space<vmem>>, %arg6: memref<656xi32, #tpu.memory_space<vmem>>, %arg7: memref<!tpu.dma_semaphore, #tpu.memory_space<semaphore_mem>>) attributes {dimension_semantics = [#tpu.dimension_semantics<core_parallel>, #tpu.dimension_semantics<subcore_parallel>], iteration_bounds = array<i64: 2, 16>, scalar_prefetch = 0 : i64, scratch_operands = 4 : i64, tpu.core_type = #tpu.core_type<sc_vector_subcore>, window_params = [{transform_indices = #map}, {transform_indices = #map1}]} {
    %mul3A = arith.constant 2 : i32
    %mul3A_0 = arith.muli %arg1, %mul3A : i32
    %add3A = arith.addi %mul3A_0, %arg0 : i32
    %jit3A = arith.constant 4 : i32
    %div3A = arith.divsi %add3A, %jit3A : i32
    %sign3A = arith.constant 0 : i32
    %sign3A_1 = arith.cmpi sgt, %add3A, %sign3A : i32
    %sign3A_2 = arith.extui %sign3A_1 : i1 to i32
    %sign3A_3 = arith.constant 0 : i32
    %sign3A_4 = arith.cmpi slt, %add3A, %sign3A_3 : i32
    %sign3A_5 = arith.extui %sign3A_4 : i1 to i32
    %sign3A_6 = arith.subi %sign3A_2, %sign3A_5 : i32
    %sign3A_7 = arith.constant 0 : i32
    %sign3A_8 = arith.cmpi sgt, %jit3A, %sign3A_7 : i32
    %sign3A_9 = arith.extui %sign3A_8 : i1 to i32
    %sign3A_10 = arith.constant 0 : i32
    %sign3A_11 = arith.cmpi slt, %jit3A, %sign3A_10 : i32
    %sign3A_12 = arith.extui %sign3A_11 : i1 to i32
    %sign3A_13 = arith.subi %sign3A_9, %sign3A_12 : i32
    %ne3A = arith.cmpi ne, %sign3A_6, %sign3A_13 : i32
    %rem3A = arith.remsi %add3A, %jit3A : i32
    %ne3A_14 = arith.constant 0 : i32
    %ne3A_15 = arith.cmpi ne, %rem3A, %ne3A_14 : i32
    %and3A = arith.andi %ne3A, %ne3A_15 : i1
    %sub3A = arith.constant 1 : i32
    %sub3A_16 = arith.subi %div3A, %sub3A : i32
    %select_n3A = arith.select %and3A, %sub3A_16, %div3A : i32
    %jit3A_17 = arith.constant 4 : i32
    %eq3A = arith.constant 0 : i32
    %eq3A_18 = arith.cmpi eq, %jit3A_17, %eq3A : i32
    %jit3A_19 = arith.constant 1 : i32
    %select_n3A_20 = arith.select %eq3A_18, %jit3A_19, %jit3A_17 : i32
    %rem3A_21 = arith.remsi %add3A, %select_n3A_20 : i32
    %ne3A_22 = arith.constant 0 : i32
    %ne3A_23 = arith.cmpi ne, %rem3A_21, %ne3A_22 : i32
    %lt3A = arith.constant 0 : i32
    %lt3A_24 = arith.cmpi slt, %rem3A_21, %lt3A : i32
    %lt3A_25 = arith.constant 0 : i32
    %lt3A_26 = arith.cmpi slt, %select_n3A_20, %lt3A_25 : i32
    %ne3A_27 = arith.xori %lt3A_24, %lt3A_26 : i1
    %and3A_28 = arith.andi %ne3A_27, %ne3A_23 : i1
    %add3A_29 = arith.addi %rem3A_21, %select_n3A_20 : i32
    %select_n3A_30 = arith.select %and3A_28, %add3A_29, %rem3A_21 : i32
    %dma_start3A = arith.constant 0 : i32
    %dma_start3A_31 = tpu.memref_slice %arg2[%select_n3A, %dma_start3A] : memref<8x25216xf32, #tpu.memory_space<hbm>> -> memref<1x25216xf32, #tpu.memory_space<hbm>>
    %dma_start3A_32 = tpu.memref_squeeze %dma_start3A_31 : memref<1x25216xf32, #tpu.memory_space<hbm>> -> memref<25216xf32, #tpu.memory_space<hbm>>
    %dma_start3A_33 = arith.constant 0 : i32
    %dma_start3A_34 = tpu.memref_slice %arg2[%select_n3A, %dma_start3A_33] : memref<8x25216xf32, #tpu.memory_space<hbm>> -> memref<1x25216xf32, #tpu.memory_space<hbm>>
    %dma_start3A_35 = tpu.memref_squeeze %dma_start3A_34 : memref<1x25216xf32, #tpu.memory_space<hbm>> -> memref<25216xf32, #tpu.memory_space<hbm>>
    tpu.enqueue_dma source(%dma_start3A_35 : memref<25216xf32, #tpu.memory_space<hbm>>) target(%arg4 : memref<25216xf32, #tpu.memory_space<vmem>>) target_semaphore(%arg7 : memref<!tpu.dma_semaphore, #tpu.memory_space<semaphore_mem>>)
    %broadcast_in_dim3A = arith.constant 0.000000e+00 : f32
    %broadcast_in_dim3A_36 = vector.broadcast %broadcast_in_dim3A : f32 to vector<16xf32>
    %scan3A = arith.constant 0 : i32
    %scan3A_37 = arith.constant 0 : i32
    %scan3A_38 = arith.constant 128 : i32
    %scan3A_39 = arith.addi %scan3A_37, %scan3A_38 : i32
    %scan3A_40 = arith.constant 1 : i32
    %scan3A_41 = scf.for %scan3A_78 = %scan3A_37 to %scan3A_39 step %scan3A_40 iter_args(%scan3A_79 = %scan3A) -> (i32)  : i32 {
      %swap3A = arith.index_cast %scan3A_78 : i32 to index
      %swap3A_80 = arith.constant 0 : index
      %swap3A_81 = tpu.vector_load %arg5[%swap3A, %swap3A_80] {strides = array<i32>} : memref<128x128xf32, #tpu.memory_space<vmem>>, vector<16xf32>,
      tpu.vector_store %arg5[%swap3A, %swap3A_80], %broadcast_in_dim3A_36 {strides = array<i32>} : memref<128x128xf32, #tpu.memory_space<vmem>>, vector<16xf32>,
      %swap3A_82 = arith.index_cast %scan3A_78 : i32 to index
      %swap3A_83 = arith.constant 16 : index
      %swap3A_84 = tpu.vector_load %arg5[%swap3A_82, %swap3A_83] {strides = array<i32>} : memref<128x128xf32, #tpu.memory_space<vmem>>, vector<16xf32>,
      tpu.vector_store %arg5[%swap3A_82, %swap3A_83], %broadcast_in_dim3A_36 {strides = array<i32>} : memref<128x128xf32, #tpu.memory_space<vmem>>, vector<16xf32>,
      %swap3A_85 = arith.index_cast %scan3A_78 : i32 to index
      %swap3A_86 = arith.constant 32 : index
      %swap3A_87 = tpu.vector_load %arg5[%swap3A_85, %swap3A_86] {strides = array<i32>} : memref<128x128xf32, #tpu.memory_space<vmem>>, vector<16xf32>,
      tpu.vector_store %arg5[%swap3A_85, %swap3A_86], %broadcast_in_dim3A_36 {strides = array<i32>} : memref<128x128xf32, #tpu.memory_space<vmem>>, vector<16xf32>,
      %swap3A_88 = arith.index_cast %scan3A_78 : i32 to index
      %swap3A_89 = arith.constant 48 : index
      %swap3A_90 = tpu.vector_load %arg5[%swap3A_88, %swap3A_89] {strides = array<i32>} : memref<128x128xf32, #tpu.memory_space<vmem>>, vector<16xf32>,
      tpu.vector_store %arg5[%swap3A_88, %swap3A_89], %broadcast_in_dim3A_36 {strides = array<i32>} : memref<128x128xf32, #tpu.memory_space<vmem>>, vector<16xf32>,
      %swap3A_91 = arith.index_cast %scan3A_78 : i32 to index
      %swap3A_92 = arith.constant 64 : index
      %swap3A_93 = tpu.vector_load %arg5[%swap3A_91, %swap3A_92] {strides = array<i32>} : memref<128x128xf32, #tpu.memory_space<vmem>>, vector<16xf32>,
      tpu.vector_store %arg5[%swap3A_91, %swap3A_92], %broadcast_in_dim3A_36 {strides = array<i32>} : memref<128x128xf32, #tpu.memory_space<vmem>>, vector<16xf32>,
      %swap3A_94 = arith.index_cast %scan3A_78 : i32 to index
      %swap3A_95 = arith.constant 80 : index
      %swap3A_96 = tpu.vector_load %arg5[%swap3A_94, %swap3A_95] {strides = array<i32>} : memref<128x128xf32, #tpu.memory_space<vmem>>, vector<16xf32>,
      tpu.vector_store %arg5[%swap3A_94, %swap3A_95], %broadcast_in_dim3A_36 {strides = array<i32>} : memref<128x128xf32, #tpu.memory_space<vmem>>, vector<16xf32>,
      %swap3A_97 = arith.index_cast %scan3A_78 : i32 to index
      %swap3A_98 = arith.constant 96 : index
      %swap3A_99 = tpu.vector_load %arg5[%swap3A_97, %swap3A_98] {strides = array<i32>} : memref<128x128xf32, #tpu.memory_space<vmem>>, vector<16xf32>,
      tpu.vector_store %arg5[%swap3A_97, %swap3A_98], %broadcast_in_dim3A_36 {strides = array<i32>} : memref<128x128xf32, #tpu.memory_space<vmem>>, vector<16xf32>,
      %swap3A_100 = arith.index_cast %scan3A_78 : i32 to index
      %swap3A_101 = arith.constant 112 : index
      %swap3A_102 = tpu.vector_load %arg5[%swap3A_100, %swap3A_101] {strides = array<i32>} : memref<128x128xf32, #tpu.memory_space<vmem>>, vector<16xf32>,
      tpu.vector_store %arg5[%swap3A_100, %swap3A_101], %broadcast_in_dim3A_36 {strides = array<i32>} : memref<128x128xf32, #tpu.memory_space<vmem>>, vector<16xf32>,
      %scan3A_103 = arith.constant 0 : i32
      scf.yield %scan3A_103 : i32
    }
    %scan3A_42 = arith.constant 128 : i32
    %dma_wait3A = arith.constant 0 : i32
    %dma_wait3A_43 = tpu.memref_slice %arg2[%select_n3A, %dma_wait3A] : memref<8x25216xf32, #tpu.memory_space<hbm>> -> memref<1x25216xf32, #tpu.memory_space<hbm>>
    %dma_wait3A_44 = tpu.memref_squeeze %dma_wait3A_43 : memref<1x25216xf32, #tpu.memory_space<hbm>> -> memref<25216xf32, #tpu.memory_space<hbm>>
    %dma_wait3A_45 = arith.constant 0 : i32
    %dma_wait3A_46 = tpu.memref_slice %arg2[%select_n3A, %dma_wait3A_45] : memref<8x25216xf32, #tpu.memory_space<hbm>> -> memref<1x25216xf32, #tpu.memory_space<hbm>>
    %dma_wait3A_47 = tpu.memref_squeeze %dma_wait3A_46 : memref<1x25216xf32, #tpu.memory_space<hbm>> -> memref<25216xf32, #tpu.memory_space<hbm>>
    tpu.wait_dma2 semaphore(%arg7 : memref<!tpu.dma_semaphore, #tpu.memory_space<semaphore_mem>>) src(%dma_wait3A_47 : memref<25216xf32, #tpu.memory_space<hbm>>) dst(%arg4 : memref<25216xf32, #tpu.memory_space<vmem>>)
    %iota3A = tpu.iota {dimensions = array<i32: 0>} : vector<16xi32>
    %mul3A_48 = arith.constant 4 : i32
    %mul3A_49 = vector.broadcast %mul3A_48 : i32 to vector<16xi32>
    %mul3A_50 = arith.muli %iota3A, %mul3A_49 : vector<16xi32>
    %shift_right_arithmetic3A = arith.constant 2 : i32
    %shift_right_arithmetic3A_51 = vector.broadcast %shift_right_arithmetic3A : i32 to vector<16xi32>
    %shift_right_arithmetic3A_52 = arith.shrsi %iota3A, %shift_right_arithmetic3A_51 : vector<16xi32>
    %eq3A_53 = arith.constant 0 : i32
    %eq3A_54 = vector.broadcast %eq3A_53 : i32 to vector<16xi32>
    %eq3A_55 = arith.cmpi eq, %shift_right_arithmetic3A_52, %eq3A_54 : vector<16xi32>
    %shift_right_arithmetic3A_56 = arith.constant 2 : i32
    %shift_right_arithmetic3A_57 = vector.broadcast %shift_right_arithmetic3A_56 : i32 to vector<16xi32>
    %shift_right_arithmetic3A_58 = arith.shrsi %iota3A, %shift_right_arithmetic3A_57 : vector<16xi32>
    %eq3A_59 = arith.constant 1 : i32
    %eq3A_60 = vector.broadcast %eq3A_59 : i32 to vector<16xi32>
    %eq3A_61 = arith.cmpi eq, %shift_right_arithmetic3A_58, %eq3A_60 : vector<16xi32>
    %shift_right_arithmetic3A_62 = arith.constant 2 : i32
    %shift_right_arithmetic3A_63 = vector.broadcast %shift_right_arithmetic3A_62 : i32 to vector<16xi32>
    %shift_right_arithmetic3A_64 = arith.shrsi %iota3A, %shift_right_arithmetic3A_63 : vector<16xi32>
    %eq3A_65 = arith.constant 2 : i32
    %eq3A_66 = vector.broadcast %eq3A_65 : i32 to vector<16xi32>
    %eq3A_67 = arith.cmpi eq, %shift_right_arithmetic3A_64, %eq3A_66 : vector<16xi32>
    %shift_right_arithmetic3A_68 = arith.constant 2 : i32
    %shift_right_arithmetic3A_69 = vector.broadcast %shift_right_arithmetic3A_68 : i32 to vector<16xi32>
    %shift_right_arithmetic3A_70 = arith.shrsi %iota3A, %shift_right_arithmetic3A_69 : vector<16xi32>
    %eq3A_71 = arith.constant 3 : i32
    %eq3A_72 = vector.broadcast %eq3A_71 : i32 to vector<16xi32>
    %eq3A_73 = arith.cmpi eq, %shift_right_arithmetic3A_70, %eq3A_72 : vector<16xi32>
    %mul3A_74 = arith.constant 6250 : i32
    %mul3A_75 = arith.muli %select_n3A_30, %mul3A_74 : i32
    %parallel_loop3A = arith.constant 0 : i32
    %parallel_loop3A_76 = arith.constant 40 : i32
    %parallel_loop3A_77 = arith.constant 1 : i32
    scf.for %parallel_loop3A_78 = %parallel_loop3A to %parallel_loop3A_76 step %parallel_loop3A_77  : i32 {
      %parallel_loop3A_79 = arith.constant 160 : i32
      %parallel_loop3A_80 = arith.muli %parallel_loop3A_78, %parallel_loop3A_79 : i32
      %parallel_loop3A_81 = arith.addi %mul3A_75, %parallel_loop3A_80 : i32
      %parallel_loop3A_82 = arith.constant 3 : i32
      %parallel_loop3A_83 = arith.andi %parallel_loop3A_78, %parallel_loop3A_82 : i32
      %parallel_loop3A_84 = arith.constant 160 : i32
      %parallel_loop3A_85 = arith.muli %parallel_loop3A_83, %parallel_loop3A_84 : i32
      %parallel_loop3A_86 = arith.constant 32 : i32
      %parallel_loop3A_87 = arith.muli %parallel_loop3A_78, %parallel_loop3A_86 : i32
      %parallel_loop3A_88 = arith.constant 5 : i32
      %parallel_loop3A_89 = vector.broadcast %parallel_loop3A_88 : i32 to vector<16xi32>
      %parallel_loop3A_90 = arith.muli %iota3A, %parallel_loop3A_89 : vector<16xi32>
      %parallel_loop3A_91 = vector.broadcast %parallel_loop3A_81 : i32 to vector<16xi32>
      %parallel_loop3A_92 = arith.addi %parallel_loop3A_90, %parallel_loop3A_91 : vector<16xi32>
      %parallel_loop3A_93 = tpu.vector_load_idx %arg4[%parallel_loop3A_92] : memref<25216xf32, #tpu.memory_space<vmem>>[vector<16xi32>], vector<16xf32>,
      %parallel_loop3A_94 = arith.constant 1 : i32
      %parallel_loop3A_95 = vector.broadcast %parallel_loop3A_94 : i32 to vector<16xi32>
      %parallel_loop3A_96 = arith.addi %parallel_loop3A_92, %parallel_loop3A_95 : vector<16xi32>
      %parallel_loop3A_97 = tpu.vector_load_idx %arg4[%parallel_loop3A_96] : memref<25216xf32, #tpu.memory_space<vmem>>[vector<16xi32>], vector<16xf32>,
      %parallel_loop3A_98 = arith.constant 2 : i32
      %parallel_loop3A_99 = vector.broadcast %parallel_loop3A_98 : i32 to vector<16xi32>
      %parallel_loop3A_100 = arith.addi %parallel_loop3A_92, %parallel_loop3A_99 : vector<16xi32>
      %parallel_loop3A_101 = tpu.vector_load_idx %arg4[%parallel_loop3A_100] : memref<25216xf32, #tpu.memory_space<vmem>>[vector<16xi32>], vector<16xf32>,
      %parallel_loop3A_102 = arith.constant 3 : i32
      %parallel_loop3A_103 = vector.broadcast %parallel_loop3A_102 : i32 to vector<16xi32>
      %parallel_loop3A_104 = arith.addi %parallel_loop3A_92, %parallel_loop3A_103 : vector<16xi32>
      %parallel_loop3A_105 = tpu.vector_load_idx %arg4[%parallel_loop3A_104] : memref<25216xf32, #tpu.memory_space<vmem>>[vector<16xi32>], vector<16xf32>,
      %parallel_loop3A_106 = arith.constant 4 : i32
      %parallel_loop3A_107 = vector.broadcast %parallel_loop3A_106 : i32 to vector<16xi32>
      %parallel_loop3A_108 = arith.addi %parallel_loop3A_92, %parallel_loop3A_107 : vector<16xi32>
      %parallel_loop3A_109 = tpu.vector_load_idx %arg4[%parallel_loop3A_108] : memref<25216xf32, #tpu.memory_space<vmem>>[vector<16xi32>], vector<16xf32>,
      %parallel_loop3A_110 = arith.constant 1.280000e+02 : f32
      %parallel_loop3A_111 = vector.broadcast %parallel_loop3A_110 : f32 to vector<16xf32>
      %parallel_loop3A_112 = arith.mulf %parallel_loop3A_97, %parallel_loop3A_111 : vector<16xf32>
      %parallel_loop3A_113 = arith.fptosi %parallel_loop3A_112 : vector<16xf32> to vector<16xi32>
      %parallel_loop3A_114 = arith.constant 1.280000e+02 : f32
      %parallel_loop3A_115 = vector.broadcast %parallel_loop3A_114 : f32 to vector<16xf32>
      %parallel_loop3A_116 = arith.mulf %parallel_loop3A_101, %parallel_loop3A_115 : vector<16xf32>
      %parallel_loop3A_117 = arith.fptosi %parallel_loop3A_116 : vector<16xf32> to vector<16xi32>
      %parallel_loop3A_118 = arith.constant 1.280000e+02 : f32
      %parallel_loop3A_119 = vector.broadcast %parallel_loop3A_118 : f32 to vector<16xf32>
      %parallel_loop3A_120 = arith.mulf %parallel_loop3A_105, %parallel_loop3A_119 : vector<16xf32>
      %parallel_loop3A_121 = arith.fptosi %parallel_loop3A_120 : vector<16xf32> to vector<16xi32>
      %parallel_loop3A_122 = arith.constant 1.280000e+02 : f32
      %parallel_loop3A_123 = vector.broadcast %parallel_loop3A_122 : f32 to vector<16xf32>
      %parallel_loop3A_124 = arith.mulf %parallel_loop3A_109, %parallel_loop3A_123 : vector<16xf32>
      %parallel_loop3A_125 = arith.fptosi %parallel_loop3A_124 : vector<16xf32> to vector<16xi32>
      %parallel_loop3A_126 = vector.broadcast %parallel_loop3A_87 : i32 to vector<16xi32>
      %parallel_loop3A_127 = arith.addi %parallel_loop3A_126, %iota3A : vector<16xi32>
      %parallel_loop3A_128 = arith.constant 1250 : i32
      %parallel_loop3A_129 = vector.broadcast %parallel_loop3A_128 : i32 to vector<16xi32>
      %parallel_loop3A_130 = arith.cmpi slt, %parallel_loop3A_127, %parallel_loop3A_129 : vector<16xi32>
      %parallel_loop3A_131 = arith.cmpi sgt, %parallel_loop3A_121, %parallel_loop3A_113 : vector<16xi32>
      %parallel_loop3A_132 = arith.cmpi sgt, %parallel_loop3A_125, %parallel_loop3A_117 : vector<16xi32>
      %parallel_loop3A_133 = arith.andi %parallel_loop3A_131, %parallel_loop3A_132 : vector<16xi1>
      %parallel_loop3A_134 = arith.andi %parallel_loop3A_133, %parallel_loop3A_130 : vector<16xi1>
      %parallel_loop3A_135 = arith.constant 0.000000e+00 : f32
      %parallel_loop3A_136 = vector.broadcast %parallel_loop3A_135 : f32 to vector<16xf32>
      %parallel_loop3A_137 = arith.select %parallel_loop3A_134, %parallel_loop3A_93, %parallel_loop3A_136 : vector<16xi1>, vector<16xf32>
      %parallel_loop3A_138 = arith.constant 128 : i32
      %parallel_loop3A_139 = vector.broadcast %parallel_loop3A_138 : i32 to vector<16xi32>
      %parallel_loop3A_140 = arith.muli %parallel_loop3A_117, %parallel_loop3A_139 : vector<16xi32>
      %parallel_loop3A_141 = arith.constant 128 : i32
      %parallel_loop3A_142 = vector.broadcast %parallel_loop3A_141 : i32 to vector<16xi32>
      %parallel_loop3A_143 = arith.muli %parallel_loop3A_125, %parallel_loop3A_142 : vector<16xi32>
      tpu.vector_store_idx %arg4[%parallel_loop3A_92], %parallel_loop3A_137 : memref<25216xf32, #tpu.memory_space<vmem>>[vector<16xi32>], vector<16xf32>,
      %parallel_loop3A_144 = vector.broadcast %parallel_loop3A_85 : i32 to vector<16xi32>
      %parallel_loop3A_145 = arith.addi %parallel_loop3A_144, %mul3A_50 : vector<16xi32>
      %parallel_loop3A_146 = arith.addi %parallel_loop3A_140, %parallel_loop3A_113 : vector<16xi32>
      tpu.vector_store_idx %arg6[%parallel_loop3A_145], %parallel_loop3A_146 : memref<656xi32, #tpu.memory_space<vmem>>[vector<16xi32>], vector<16xi32>,
      %parallel_loop3A_147 = vector.broadcast %parallel_loop3A_85 : i32 to vector<16xi32>
      %parallel_loop3A_148 = arith.addi %parallel_loop3A_147, %mul3A_50 : vector<16xi32>
      %parallel_loop3A_149 = arith.constant 1 : i32
      %parallel_loop3A_150 = vector.broadcast %parallel_loop3A_149 : i32 to vector<16xi32>
      %parallel_loop3A_151 = arith.addi %parallel_loop3A_148, %parallel_loop3A_150 : vector<16xi32>
      %parallel_loop3A_152 = arith.addi %parallel_loop3A_140, %parallel_loop3A_121 : vector<16xi32>
      tpu.vector_store_idx %arg6[%parallel_loop3A_151], %parallel_loop3A_152 : memref<656xi32, #tpu.memory_space<vmem>>[vector<16xi32>], vector<16xi32>,
      %parallel_loop3A_153 = vector.broadcast %parallel_loop3A_85 : i32 to vector<16xi32>
      %parallel_loop3A_154 = arith.addi %parallel_loop3A_153, %mul3A_50 : vector<16xi32>
      %parallel_loop3A_155 = arith.constant 2 : i32
      %parallel_loop3A_156 = vector.broadcast %parallel_loop3A_155 : i32 to vector<16xi32>
      %parallel_loop3A_157 = arith.addi %parallel_loop3A_154, %parallel_loop3A_156 : vector<16xi32>
      %parallel_loop3A_158 = arith.addi %parallel_loop3A_143, %parallel_loop3A_113 : vector<16xi32>
      tpu.vector_store_idx %arg6[%parallel_loop3A_157], %parallel_loop3A_158 : memref<656xi32, #tpu.memory_space<vmem>>[vector<16xi32>], vector<16xi32>,
      %parallel_loop3A_159 = vector.broadcast %parallel_loop3A_85 : i32 to vector<16xi32>
      %parallel_loop3A_160 = arith.addi %parallel_loop3A_159, %mul3A_50 : vector<16xi32>
      %parallel_loop3A_161 = arith.constant 3 : i32
      %parallel_loop3A_162 = vector.broadcast %parallel_loop3A_161 : i32 to vector<16xi32>
      %parallel_loop3A_163 = arith.addi %parallel_loop3A_160, %parallel_loop3A_162 : vector<16xi32>
      %parallel_loop3A_164 = arith.addi %parallel_loop3A_143, %parallel_loop3A_121 : vector<16xi32>
      tpu.vector_store_idx %arg6[%parallel_loop3A_163], %parallel_loop3A_164 : memref<656xi32, #tpu.memory_space<vmem>>[vector<16xi32>], vector<16xi32>,
      %parallel_loop3A_165 = arith.constant 2 : i32
      %parallel_loop3A_166 = vector.broadcast %parallel_loop3A_165 : i32 to vector<16xi32>
      %parallel_loop3A_167 = arith.shrsi %iota3A, %parallel_loop3A_166 : vector<16xi32>
      %parallel_loop3A_168 = arith.constant 3 : i32
      %parallel_loop3A_169 = vector.broadcast %parallel_loop3A_168 : i32 to vector<16xi32>
      %parallel_loop3A_170 = arith.andi %iota3A, %parallel_loop3A_169 : vector<16xi32>
      %parallel_loop3A_171 = arith.constant 0 : i32
      %parallel_loop3A_172 = vector.broadcast %parallel_loop3A_171 : i32 to vector<16xi32>
      %parallel_loop3A_173 = arith.cmpi eq, %parallel_loop3A_170, %parallel_loop3A_172 : vector<16xi32>
      %parallel_loop3A_174 = arith.constant 3 : i32
      %parallel_loop3A_175 = vector.broadcast %parallel_loop3A_174 : i32 to vector<16xi32>
      %parallel_loop3A_176 = arith.andi %iota3A, %parallel_loop3A_175 : vector<16xi32>
      %parallel_loop3A_177 = arith.constant 3 : i32
      %parallel_loop3A_178 = vector.broadcast %parallel_loop3A_177 : i32 to vector<16xi32>
      %parallel_loop3A_179 = arith.cmpi eq, %parallel_loop3A_176, %parallel_loop3A_178 : vector<16xi32>
      %parallel_loop3A_180 = arith.constant 1.000000e+00 : f32
      %parallel_loop3A_181 = arith.constant -1.000000e+00 : f32
      %parallel_loop3A_182 = vector.broadcast %parallel_loop3A_180 : f32 to vector<16xf32>
      %parallel_loop3A_183 = vector.broadcast %parallel_loop3A_181 : f32 to vector<16xf32>
      %parallel_loop3A_184 = arith.select %parallel_loop3A_179, %parallel_loop3A_182, %parallel_loop3A_183 : vector<16xi1>, vector<16xf32>
      %parallel_loop3A_185 = arith.constant 1.000000e+00 : f32
      %parallel_loop3A_186 = vector.broadcast %parallel_loop3A_185 : f32 to vector<16xf32>
      %parallel_loop3A_187 = arith.select %parallel_loop3A_173, %parallel_loop3A_186, %parallel_loop3A_184 : vector<16xi1>, vector<16xf32>
      %parallel_loop3A_188 = arith.constant 0 : i32
      %parallel_loop3A_189 = arith.addi %parallel_loop3A_85, %parallel_loop3A_188 : i32
      %parallel_loop3A_190 = arith.index_cast %parallel_loop3A_189 : i32 to index
      %parallel_loop3A_191 = tpu.vector_load %arg6[%parallel_loop3A_190] {strides = array<i32>} : memref<656xi32, #tpu.memory_space<vmem>>, vector<16xi32>,
      %parallel_loop3A_192 = arith.constant 0 : i32
      %parallel_loop3A_193 = vector.broadcast %parallel_loop3A_192 : i32 to vector<16xi32>
      %parallel_loop3A_194 = arith.addi %parallel_loop3A_193, %parallel_loop3A_167 : vector<16xi32>
      %parallel_loop3A_195 = arith.constant 5 : i32
      %parallel_loop3A_196 = vector.broadcast %parallel_loop3A_195 : i32 to vector<16xi32>
      %parallel_loop3A_197 = arith.muli %parallel_loop3A_194, %parallel_loop3A_196 : vector<16xi32>
      %parallel_loop3A_198 = vector.broadcast %parallel_loop3A_81 : i32 to vector<16xi32>
      %parallel_loop3A_199 = arith.addi %parallel_loop3A_198, %parallel_loop3A_197 : vector<16xi32>
      %parallel_loop3A_200 = tpu.vector_load_idx %arg4[%parallel_loop3A_199] : memref<25216xf32, #tpu.memory_space<vmem>>[vector<16xi32>], vector<16xf32>,
      %parallel_loop3A_201 = arith.mulf %parallel_loop3A_200, %parallel_loop3A_187 : vector<16xf32>
      %parallel_loop3A_202 = arith.constant 7 : i32
      %parallel_loop3A_203 = vector.broadcast %parallel_loop3A_202 : i32 to vector<16xi32>
      %parallel_loop3A_204 = arith.shrsi %parallel_loop3A_191, %parallel_loop3A_203 : vector<16xi32>
      %parallel_loop3A_205 = arith.constant 127 : i32
      %parallel_loop3A_206 = vector.broadcast %parallel_loop3A_205 : i32 to vector<16xi32>
      %parallel_loop3A_207 = arith.andi %parallel_loop3A_191, %parallel_loop3A_206 : vector<16xi32>
      tpu.vector_store_idx %arg5[%parallel_loop3A_204, %parallel_loop3A_207], %parallel_loop3A_201 masked %eq3A_55 {add = true} : memref<128x128xf32, #tpu.memory_space<vmem>>[vector<16xi32>, vector<16xi32>], vector<16xf32>, vector<16xi1>
      tpu.vector_store_idx %arg5[%parallel_loop3A_204, %parallel_loop3A_207], %parallel_loop3A_201 masked %eq3A_61 {add = true} : memref<128x128xf32, #tpu.memory_space<vmem>>[vector<16xi32>, vector<16xi32>], vector<16xf32>, vector<16xi1>
      tpu.vector_store_idx %arg5[%parallel_loop3A_204, %parallel_loop3A_207], %parallel_loop3A_201 masked %eq3A_67 {add = true} : memref<128x128xf32, #tpu.memory_space<vmem>>[vector<16xi32>, vector<16xi32>], vector<16xf32>, vector<16xi1>
      tpu.vector_store_idx %arg5[%parallel_loop3A_204, %parallel_loop3A_207], %parallel_loop3A_201 masked %eq3A_73 {add = true} : memref<128x128xf32, #tpu.memory_space<vmem>>[vector<16xi32>, vector<16xi32>], vector<16xf32>, vector<16xi1>
      %parallel_loop3A_208 = arith.constant 16 : i32
      %parallel_loop3A_209 = arith.addi %parallel_loop3A_85, %parallel_loop3A_208 : i32
      %parallel_loop3A_210 = arith.index_cast %parallel_loop3A_209 : i32 to index
      %parallel_loop3A_211 = tpu.vector_load %arg6[%parallel_loop3A_210] {strides = array<i32>} : memref<656xi32, #tpu.memory_space<vmem>>, vector<16xi32>,
      %parallel_loop3A_212 = arith.constant 4 : i32
      %parallel_loop3A_213 = vector.broadcast %parallel_loop3A_212 : i32 to vector<16xi32>
      %parallel_loop3A_214 = arith.addi %parallel_loop3A_213, %parallel_loop3A_167 : vector<16xi32>
      %parallel_loop3A_215 = arith.constant 5 : i32
      %parallel_loop3A_216 = vector.broadcast %parallel_loop3A_215 : i32 to vector<16xi32>
      %parallel_loop3A_217 = arith.muli %parallel_loop3A_214, %parallel_loop3A_216 : vector<16xi32>
      %parallel_loop3A_218 = vector.broadcast %parallel_loop3A_81 : i32 to vector<16xi32>
      %parallel_loop3A_219 = arith.addi %parallel_loop3A_218, %parallel_loop3A_217 : vector<16xi32>
      %parallel_loop3A_220 = tpu.vector_load_idx %arg4[%parallel_loop3A_219] : memref<25216xf32, #tpu.memory_space<vmem>>[vector<16xi32>], vector<16xf32>,
      %parallel_loop3A_221 = arith.mulf %parallel_loop3A_220, %parallel_loop3A_187 : vector<16xf32>
      %parallel_loop3A_222 = arith.constant 7 : i32
      %parallel_loop3A_223 = vector.broadcast %parallel_loop3A_222 : i32 to vector<16xi32>
      %parallel_loop3A_224 = arith.shrsi %parallel_loop3A_211, %parallel_loop3A_223 : vector<16xi32>
      %parallel_loop3A_225 = arith.constant 127 : i32
      %parallel_loop3A_226 = vector.broadcast %parallel_loop3A_225 : i32 to vector<16xi32>
      %parallel_loop3A_227 = arith.andi %parallel_loop3A_211, %parallel_loop3A_226 : vector<16xi32>
      tpu.vector_store_idx %arg5[%parallel_loop3A_224, %parallel_loop3A_227], %parallel_loop3A_221 masked %eq3A_55 {add = true} : memref<128x128xf32, #tpu.memory_space<vmem>>[vector<16xi32>, vector<16xi32>], vector<16xf32>, vector<16xi1>
      tpu.vector_store_idx %arg5[%parallel_loop3A_224, %parallel_loop3A_227], %parallel_loop3A_221 masked %eq3A_61 {add = true} : memref<128x128xf32, #tpu.memory_space<vmem>>[vector<16xi32>, vector<16xi32>], vector<16xf32>, vector<16xi1>
      tpu.vector_store_idx %arg5[%parallel_loop3A_224, %parallel_loop3A_227], %parallel_loop3A_221 masked %eq3A_67 {add = true} : memref<128x128xf32, #tpu.memory_space<vmem>>[vector<16xi32>, vector<16xi32>], vector<16xf32>, vector<16xi1>
      tpu.vector_store_idx %arg5[%parallel_loop3A_224, %parallel_loop3A_227], %parallel_loop3A_221 masked %eq3A_73 {add = true} : memref<128x128xf32, #tpu.memory_space<vmem>>[vector<16xi32>, vector<16xi32>], vector<16xf32>, vector<16xi1>
      %parallel_loop3A_228 = arith.constant 32 : i32
      %parallel_loop3A_229 = arith.addi %parallel_loop3A_85, %parallel_loop3A_228 : i32
      %parallel_loop3A_230 = arith.index_cast %parallel_loop3A_229 : i32 to index
      %parallel_loop3A_231 = tpu.vector_load %arg6[%parallel_loop3A_230] {strides = array<i32>} : memref<656xi32, #tpu.memory_space<vmem>>, vector<16xi32>,
      %parallel_loop3A_232 = arith.constant 8 : i32
      %parallel_loop3A_233 = vector.broadcast %parallel_loop3A_232 : i32 to vector<16xi32>
      %parallel_loop3A_234 = arith.addi %parallel_loop3A_233, %parallel_loop3A_167 : vector<16xi32>
      %parallel_loop3A_235 = arith.constant 5 : i32
      %parallel_loop3A_236 = vector.broadcast %parallel_loop3A_235 : i32 to vector<16xi32>
      %parallel_loop3A_237 = arith.muli %parallel_loop3A_234, %parallel_loop3A_236 : vector<16xi32>
      %parallel_loop3A_238 = vector.broadcast %parallel_loop3A_81 : i32 to vector<16xi32>
      %parallel_loop3A_239 = arith.addi %parallel_loop3A_238, %parallel_loop3A_237 : vector<16xi32>
      %parallel_loop3A_240 = tpu.vector_load_idx %arg4[%parallel_loop3A_239] : memref<25216xf32, #tpu.memory_space<vmem>>[vector<16xi32>], vector<16xf32>,
      %parallel_loop3A_241 = arith.mulf %parallel_loop3A_240, %parallel_loop3A_187 : vector<16xf32>
      %parallel_loop3A_242 = arith.constant 7 : i32
      %parallel_loop3A_243 = vector.broadcast %parallel_loop3A_242 : i32 to vector<16xi32>
      %parallel_loop3A_244 = arith.shrsi %parallel_loop3A_231, %parallel_loop3A_243 : vector<16xi32>
      %parallel_loop3A_245 = arith.constant 127 : i32
      %parallel_loop3A_246 = vector.broadcast %parallel_loop3A_245 : i32 to vector<16xi32>
      %parallel_loop3A_247 = arith.andi %parallel_loop3A_231, %parallel_loop3A_246 : vector<16xi32>
      tpu.vector_store_idx %arg5[%parallel_loop3A_244, %parallel_loop3A_247], %parallel_loop3A_241 masked %eq3A_55 {add = true} : memref<128x128xf32, #tpu.memory_space<vmem>>[vector<16xi32>, vector<16xi32>], vector<16xf32>, vector<16xi1>
      tpu.vector_store_idx %arg5[%parallel_loop3A_244, %parallel_loop3A_247], %parallel_loop3A_241 masked %eq3A_61 {add = true} : memref<128x128xf32, #tpu.memory_space<vmem>>[vector<16xi32>, vector<16xi32>], vector<16xf32>, vector<16xi1>
      tpu.vector_store_idx %arg5[%parallel_loop3A_244, %parallel_loop3A_247], %parallel_loop3A_241 masked %eq3A_67 {add = true} : memref<128x128xf32, #tpu.memory_space<vmem>>[vector<16xi32>, vector<16xi32>], vector<16xf32>, vector<16xi1>
      tpu.vector_store_idx %arg5[%parallel_loop3A_244, %parallel_loop3A_247], %parallel_loop3A_241 masked %eq3A_73 {add = true} : memref<128x128xf32, #tpu.memory_space<vmem>>[vector<16xi32>, vector<16xi32>], vector<16xf32>, vector<16xi1>
      %parallel_loop3A_248 = arith.constant 48 : i32
      %parallel_loop3A_249 = arith.addi %parallel_loop3A_85, %parallel_loop3A_248 : i32
      %parallel_loop3A_250 = arith.index_cast %parallel_loop3A_249 : i32 to index
      %parallel_loop3A_251 = tpu.vector_load %arg6[%parallel_loop3A_250] {strides = array<i32>} : memref<656xi32, #tpu.memory_space<vmem>>, vector<16xi32>,
      %parallel_loop3A_252 = arith.constant 12 : i32
      %parallel_loop3A_253 = vector.broadcast %parallel_loop3A_252 : i32 to vector<16xi32>
      %parallel_loop3A_254 = arith.addi %parallel_loop3A_253, %parallel_loop3A_167 : vector<16xi32>
      %parallel_loop3A_255 = arith.constant 5 : i32
      %parallel_loop3A_256 = vector.broadcast %parallel_loop3A_255 : i32 to vector<16xi32>
      %parallel_loop3A_257 = arith.muli %parallel_loop3A_254, %parallel_loop3A_256 : vector<16xi32>
      %parallel_loop3A_258 = vector.broadcast %parallel_loop3A_81 : i32 to vector<16xi32>
      %parallel_loop3A_259 = arith.addi %parallel_loop3A_258, %parallel_loop3A_257 : vector<16xi32>
      %parallel_loop3A_260 = tpu.vector_load_idx %arg4[%parallel_loop3A_259] : memref<25216xf32, #tpu.memory_space<vmem>>[vector<16xi32>], vector<16xf32>,
      %parallel_loop3A_261 = arith.mulf %parallel_loop3A_260, %parallel_loop3A_187 : vector<16xf32>
      %parallel_loop3A_262 = arith.constant 7 : i32
      %parallel_loop3A_263 = vector.broadcast %parallel_loop3A_262 : i32 to vector<16xi32>
      %parallel_loop3A_264 = arith.shrsi %parallel_loop3A_251, %parallel_loop3A_263 : vector<16xi32>
      %parallel_loop3A_265 = arith.constant 127 : i32
      %parallel_loop3A_266 = vector.broadcast %parallel_loop3A_265 : i32 to vector<16xi32>
      %parallel_loop3A_267 = arith.andi %parallel_loop3A_251, %parallel_loop3A_266 : vector<16xi32>
      tpu.vector_store_idx %arg5[%parallel_loop3A_264, %parallel_loop3A_267], %parallel_loop3A_261 masked %eq3A_55 {add = true} : memref<128x128xf32, #tpu.memory_space<vmem>>[vector<16xi32>, vector<16xi32>], vector<16xf32>, vector<16xi1>
      tpu.vector_store_idx %arg5[%parallel_loop3A_264, %parallel_loop3A_267], %parallel_loop3A_261 masked %eq3A_61 {add = true} : memref<128x128xf32, #tpu.memory_space<vmem>>[vector<16xi32>, vector<16xi32>], vector<16xf32>, vector<16xi1>
      tpu.vector_store_idx %arg5[%parallel_loop3A_264, %parallel_loop3A_267], %parallel_loop3A_261 masked %eq3A_67 {add = true} : memref<128x128xf32, #tpu.memory_space<vmem>>[vector<16xi32>, vector<16xi32>], vector<16xf32>, vector<16xi1>
      tpu.vector_store_idx %arg5[%parallel_loop3A_264, %parallel_loop3A_267], %parallel_loop3A_261 masked %eq3A_73 {add = true} : memref<128x128xf32, #tpu.memory_space<vmem>>[vector<16xi32>, vector<16xi32>], vector<16xf32>, vector<16xi1>
      %parallel_loop3A_268 = arith.constant 80 : i32
      %parallel_loop3A_269 = arith.addi %parallel_loop3A_81, %parallel_loop3A_268 : i32
      %parallel_loop3A_270 = arith.constant 32 : i32
      %parallel_loop3A_271 = arith.muli %parallel_loop3A_78, %parallel_loop3A_270 : i32
      %parallel_loop3A_272 = arith.constant 16 : i32
      %parallel_loop3A_273 = arith.addi %parallel_loop3A_271, %parallel_loop3A_272 : i32
      %parallel_loop3A_274 = arith.constant 80 : i32
      %parallel_loop3A_275 = arith.addi %parallel_loop3A_85, %parallel_loop3A_274 : i32
      %parallel_loop3A_276 = arith.constant 5 : i32
      %parallel_loop3A_277 = vector.broadcast %parallel_loop3A_276 : i32 to vector<16xi32>
      %parallel_loop3A_278 = arith.muli %iota3A, %parallel_loop3A_277 : vector<16xi32>
      %parallel_loop3A_279 = vector.broadcast %parallel_loop3A_269 : i32 to vector<16xi32>
      %parallel_loop3A_280 = arith.addi %parallel_loop3A_278, %parallel_loop3A_279 : vector<16xi32>
      %parallel_loop3A_281 = tpu.vector_load_idx %arg4[%parallel_loop3A_280] : memref<25216xf32, #tpu.memory_space<vmem>>[vector<16xi32>], vector<16xf32>,
      %parallel_loop3A_282 = arith.constant 1 : i32
      %parallel_loop3A_283 = vector.broadcast %parallel_loop3A_282 : i32 to vector<16xi32>
      %parallel_loop3A_284 = arith.addi %parallel_loop3A_280, %parallel_loop3A_283 : vector<16xi32>
      %parallel_loop3A_285 = tpu.vector_load_idx %arg4[%parallel_loop3A_284] : memref<25216xf32, #tpu.memory_space<vmem>>[vector<16xi32>], vector<16xf32>,
      %parallel_loop3A_286 = arith.constant 2 : i32
      %parallel_loop3A_287 = vector.broadcast %parallel_loop3A_286 : i32 to vector<16xi32>
      %parallel_loop3A_288 = arith.addi %parallel_loop3A_280, %parallel_loop3A_287 : vector<16xi32>
      %parallel_loop3A_289 = tpu.vector_load_idx %arg4[%parallel_loop3A_288] : memref<25216xf32, #tpu.memory_space<vmem>>[vector<16xi32>], vector<16xf32>,
      %parallel_loop3A_290 = arith.constant 3 : i32
      %parallel_loop3A_291 = vector.broadcast %parallel_loop3A_290 : i32 to vector<16xi32>
      %parallel_loop3A_292 = arith.addi %parallel_loop3A_280, %parallel_loop3A_291 : vector<16xi32>
      %parallel_loop3A_293 = tpu.vector_load_idx %arg4[%parallel_loop3A_292] : memref<25216xf32, #tpu.memory_space<vmem>>[vector<16xi32>], vector<16xf32>,
      %parallel_loop3A_294 = arith.constant 4 : i32
      %parallel_loop3A_295 = vector.broadcast %parallel_loop3A_294 : i32 to vector<16xi32>
      %parallel_loop3A_296 = arith.addi %parallel_loop3A_280, %parallel_loop3A_295 : vector<16xi32>
      %parallel_loop3A_297 = tpu.vector_load_idx %arg4[%parallel_loop3A_296] : memref<25216xf32, #tpu.memory_space<vmem>>[vector<16xi32>], vector<16xf32>,
      %parallel_loop3A_298 = arith.constant 1.280000e+02 : f32
      %parallel_loop3A_299 = vector.broadcast %parallel_loop3A_298 : f32 to vector<16xf32>
      %parallel_loop3A_300 = arith.mulf %parallel_loop3A_285, %parallel_loop3A_299 : vector<16xf32>
      %parallel_loop3A_301 = arith.fptosi %parallel_loop3A_300 : vector<16xf32> to vector<16xi32>
      %parallel_loop3A_302 = arith.constant 1.280000e+02 : f32
      %parallel_loop3A_303 = vector.broadcast %parallel_loop3A_302 : f32 to vector<16xf32>
      %parallel_loop3A_304 = arith.mulf %parallel_loop3A_289, %parallel_loop3A_303 : vector<16xf32>
      %parallel_loop3A_305 = arith.fptosi %parallel_loop3A_304 : vector<16xf32> to vector<16xi32>
      %parallel_loop3A_306 = arith.constant 1.280000e+02 : f32
      %parallel_loop3A_307 = vector.broadcast %parallel_loop3A_306 : f32 to vector<16xf32>
      %parallel_loop3A_308 = arith.mulf %parallel_loop3A_293, %parallel_loop3A_307 : vector<16xf32>
      %parallel_loop3A_309 = arith.fptosi %parallel_loop3A_308 : vector<16xf32> to vector<16xi32>
      %parallel_loop3A_310 = arith.constant 1.280000e+02 : f32
      %parallel_loop3A_311 = vector.broadcast %parallel_loop3A_310 : f32 to vector<16xf32>
      %parallel_loop3A_312 = arith.mulf %parallel_loop3A_297, %parallel_loop3A_311 : vector<16xf32>
      %parallel_loop3A_313 = arith.fptosi %parallel_loop3A_312 : vector<16xf32> to vector<16xi32>
      %parallel_loop3A_314 = vector.broadcast %parallel_loop3A_273 : i32 to vector<16xi32>
      %parallel_loop3A_315 = arith.addi %parallel_loop3A_314, %iota3A : vector<16xi32>
      %parallel_loop3A_316 = arith.constant 1250 : i32
      %parallel_loop3A_317 = vector.broadcast %parallel_loop3A_316 : i32 to vector<16xi32>
      %parallel_loop3A_318 = arith.cmpi slt, %parallel_loop3A_315, %parallel_loop3A_317 : vector<16xi32>
      %parallel_loop3A_319 = arith.cmpi sgt, %parallel_loop3A_309, %parallel_loop3A_301 : vector<16xi32>
      %parallel_loop3A_320 = arith.cmpi sgt, %parallel_loop3A_313, %parallel_loop3A_305 : vector<16xi32>
      %parallel_loop3A_321 = arith.andi %parallel_loop3A_319, %parallel_loop3A_320 : vector<16xi1>
      %parallel_loop3A_322 = arith.andi %parallel_loop3A_321, %parallel_loop3A_318 : vector<16xi1>
      %parallel_loop3A_323 = arith.constant 0.000000e+00 : f32
      %parallel_loop3A_324 = vector.broadcast %parallel_loop3A_323 : f32 to vector<16xf32>
      %parallel_loop3A_325 = arith.select %parallel_loop3A_322, %parallel_loop3A_281, %parallel_loop3A_324 : vector<16xi1>, vector<16xf32>
      %parallel_loop3A_326 = arith.constant 128 : i32
      %parallel_loop3A_327 = vector.broadcast %parallel_loop3A_326 : i32 to vector<16xi32>
      %parallel_loop3A_328 = arith.muli %parallel_loop3A_305, %parallel_loop3A_327 : vector<16xi32>
      %parallel_loop3A_329 = arith.constant 128 : i32
      %parallel_loop3A_330 = vector.broadcast %parallel_loop3A_329 : i32 to vector<16xi32>
      %parallel_loop3A_331 = arith.muli %parallel_loop3A_313, %parallel_loop3A_330 : vector<16xi32>
      tpu.vector_store_idx %arg4[%parallel_loop3A_280], %parallel_loop3A_325 : memref<25216xf32, #tpu.memory_space<vmem>>[vector<16xi32>], vector<16xf32>,
      %parallel_loop3A_332 = vector.broadcast %parallel_loop3A_275 : i32 to vector<16xi32>
      %parallel_loop3A_333 = arith.addi %parallel_loop3A_332, %mul3A_50 : vector<16xi32>
      %parallel_loop3A_334 = arith.addi %parallel_loop3A_328, %parallel_loop3A_301 : vector<16xi32>
      tpu.vector_store_idx %arg6[%parallel_loop3A_333], %parallel_loop3A_334 : memref<656xi32, #tpu.memory_space<vmem>>[vector<16xi32>], vector<16xi32>,
      %parallel_loop3A_335 = vector.broadcast %parallel_loop3A_275 : i32 to vector<16xi32>
      %parallel_loop3A_336 = arith.addi %parallel_loop3A_335, %mul3A_50 : vector<16xi32>
      %parallel_loop3A_337 = arith.constant 1 : i32
      %parallel_loop3A_338 = vector.broadcast %parallel_loop3A_337 : i32 to vector<16xi32>
      %parallel_loop3A_339 = arith.addi %parallel_loop3A_336, %parallel_loop3A_338 : vector<16xi32>
      %parallel_loop3A_340 = arith.addi %parallel_loop3A_328, %parallel_loop3A_309 : vector<16xi32>
      tpu.vector_store_idx %arg6[%parallel_loop3A_339], %parallel_loop3A_340 : memref<656xi32, #tpu.memory_space<vmem>>[vector<16xi32>], vector<16xi32>,
      %parallel_loop3A_341 = vector.broadcast %parallel_loop3A_275 : i32 to vector<16xi32>
      %parallel_loop3A_342 = arith.addi %parallel_loop3A_341, %mul3A_50 : vector<16xi32>
      %parallel_loop3A_343 = arith.constant 2 : i32
      %parallel_loop3A_344 = vector.broadcast %parallel_loop3A_343 : i32 to vector<16xi32>
      %parallel_loop3A_345 = arith.addi %parallel_loop3A_342, %parallel_loop3A_344 : vector<16xi32>
      %parallel_loop3A_346 = arith.addi %parallel_loop3A_331, %parallel_loop3A_301 : vector<16xi32>
      tpu.vector_store_idx %arg6[%parallel_loop3A_345], %parallel_loop3A_346 : memref<656xi32, #tpu.memory_space<vmem>>[vector<16xi32>], vector<16xi32>,
      %parallel_loop3A_347 = vector.broadcast %parallel_loop3A_275 : i32 to vector<16xi32>
      %parallel_loop3A_348 = arith.addi %parallel_loop3A_347, %mul3A_50 : vector<16xi32>
      %parallel_loop3A_349 = arith.constant 3 : i32
      %parallel_loop3A_350 = vector.broadcast %parallel_loop3A_349 : i32 to vector<16xi32>
      %parallel_loop3A_351 = arith.addi %parallel_loop3A_348, %parallel_loop3A_350 : vector<16xi32>
      %parallel_loop3A_352 = arith.addi %parallel_loop3A_331, %parallel_loop3A_309 : vector<16xi32>
      tpu.vector_store_idx %arg6[%parallel_loop3A_351], %parallel_loop3A_352 : memref<656xi32, #tpu.memory_space<vmem>>[vector<16xi32>], vector<16xi32>,
      %parallel_loop3A_353 = arith.constant 2 : i32
      %parallel_loop3A_354 = vector.broadcast %parallel_loop3A_353 : i32 to vector<16xi32>
      %parallel_loop3A_355 = arith.shrsi %iota3A, %parallel_loop3A_354 : vector<16xi32>
      %parallel_loop3A_356 = arith.constant 3 : i32
      %parallel_loop3A_357 = vector.broadcast %parallel_loop3A_356 : i32 to vector<16xi32>
      %parallel_loop3A_358 = arith.andi %iota3A, %parallel_loop3A_357 : vector<16xi32>
      %parallel_loop3A_359 = arith.constant 0 : i32
      %parallel_loop3A_360 = vector.broadcast %parallel_loop3A_359 : i32 to vector<16xi32>
      %parallel_loop3A_361 = arith.cmpi eq, %parallel_loop3A_358, %parallel_loop3A_360 : vector<16xi32>
      %parallel_loop3A_362 = arith.constant 3 : i32
      %parallel_loop3A_363 = vector.broadcast %parallel_loop3A_362 : i32 to vector<16xi32>
      %parallel_loop3A_364 = arith.andi %iota3A, %parallel_loop3A_363 : vector<16xi32>
      %parallel_loop3A_365 = arith.constant 3 : i32
      %parallel_loop3A_366 = vector.broadcast %parallel_loop3A_365 : i32 to vector<16xi32>
      %parallel_loop3A_367 = arith.cmpi eq, %parallel_loop3A_364, %parallel_loop3A_366 : vector<16xi32>
      %parallel_loop3A_368 = arith.constant 1.000000e+00 : f32
      %parallel_loop3A_369 = arith.constant -1.000000e+00 : f32
      %parallel_loop3A_370 = vector.broadcast %parallel_loop3A_368 : f32 to vector<16xf32>
      %parallel_loop3A_371 = vector.broadcast %parallel_loop3A_369 : f32 to vector<16xf32>
      %parallel_loop3A_372 = arith.select %parallel_loop3A_367, %parallel_loop3A_370, %parallel_loop3A_371 : vector<16xi1>, vector<16xf32>
      %parallel_loop3A_373 = arith.constant 1.000000e+00 : f32
      %parallel_loop3A_374 = vector.broadcast %parallel_loop3A_373 : f32 to vector<16xf32>
      %parallel_loop3A_375 = arith.select %parallel_loop3A_361, %parallel_loop3A_374, %parallel_loop3A_372 : vector<16xi1>, vector<16xf32>
      %parallel_loop3A_376 = arith.constant 0 : i32
      %parallel_loop3A_377 = arith.addi %parallel_loop3A_275, %parallel_loop3A_376 : i32
      %parallel_loop3A_378 = arith.index_cast %parallel_loop3A_377 : i32 to index
      %parallel_loop3A_379 = tpu.vector_load %arg6[%parallel_loop3A_378] {strides = array<i32>} : memref<656xi32, #tpu.memory_space<vmem>>, vector<16xi32>,
      %parallel_loop3A_380 = arith.constant 0 : i32
      %parallel_loop3A_381 = vector.broadcast %parallel_loop3A_380 : i32 to vector<16xi32>
      %parallel_loop3A_382 = arith.addi %parallel_loop3A_381, %parallel_loop3A_355 : vector<16xi32>
      %parallel_loop3A_383 = arith.constant 5 : i32
      %parallel_loop3A_384 = vector.broadcast %parallel_loop3A_383 : i32 to vector<16xi32>
      %parallel_loop3A_385 = arith.muli %parallel_loop3A_382, %parallel_loop3A_384 : vector<16xi32>
      %parallel_loop3A_386 = vector.broadcast %parallel_loop3A_269 : i32 to vector<16xi32>
      %parallel_loop3A_387 = arith.addi %parallel_loop3A_386, %parallel_loop3A_385 : vector<16xi32>
      %parallel_loop3A_388 = tpu.vector_load_idx %arg4[%parallel_loop3A_387] : memref<25216xf32, #tpu.memory_space<vmem>>[vector<16xi32>], vector<16xf32>,
      %parallel_loop3A_389 = arith.mulf %parallel_loop3A_388, %parallel_loop3A_375 : vector<16xf32>
      %parallel_loop3A_390 = arith.constant 7 : i32
      %parallel_loop3A_391 = vector.broadcast %parallel_loop3A_390 : i32 to vector<16xi32>
      %parallel_loop3A_392 = arith.shrsi %parallel_loop3A_379, %parallel_loop3A_391 : vector<16xi32>
      %parallel_loop3A_393 = arith.constant 127 : i32
      %parallel_loop3A_394 = vector.broadcast %parallel_loop3A_393 : i32 to vector<16xi32>
      %parallel_loop3A_395 = arith.andi %parallel_loop3A_379, %parallel_loop3A_394 : vector<16xi32>
      tpu.vector_store_idx %arg5[%parallel_loop3A_392, %parallel_loop3A_395], %parallel_loop3A_389 masked %eq3A_55 {add = true} : memref<128x128xf32, #tpu.memory_space<vmem>>[vector<16xi32>, vector<16xi32>], vector<16xf32>, vector<16xi1>
      tpu.vector_store_idx %arg5[%parallel_loop3A_392, %parallel_loop3A_395], %parallel_loop3A_389 masked %eq3A_61 {add = true} : memref<128x128xf32, #tpu.memory_space<vmem>>[vector<16xi32>, vector<16xi32>], vector<16xf32>, vector<16xi1>
      tpu.vector_store_idx %arg5[%parallel_loop3A_392, %parallel_loop3A_395], %parallel_loop3A_389 masked %eq3A_67 {add = true} : memref<128x128xf32, #tpu.memory_space<vmem>>[vector<16xi32>, vector<16xi32>], vector<16xf32>, vector<16xi1>
      tpu.vector_store_idx %arg5[%parallel_loop3A_392, %parallel_loop3A_395], %parallel_loop3A_389 masked %eq3A_73 {add = true} : memref<128x128xf32, #tpu.memory_space<vmem>>[vector<16xi32>, vector<16xi32>], vector<16xf32>, vector<16xi1>
      %parallel_loop3A_396 = arith.constant 16 : i32
      %parallel_loop3A_397 = arith.addi %parallel_loop3A_275, %parallel_loop3A_396 : i32
      %parallel_loop3A_398 = arith.index_cast %parallel_loop3A_397 : i32 to index
      %parallel_loop3A_399 = tpu.vector_load %arg6[%parallel_loop3A_398] {strides = array<i32>} : memref<656xi32, #tpu.memory_space<vmem>>, vector<16xi32>,
      %parallel_loop3A_400 = arith.constant 4 : i32
      %parallel_loop3A_401 = vector.broadcast %parallel_loop3A_400 : i32 to vector<16xi32>
      %parallel_loop3A_402 = arith.addi %parallel_loop3A_401, %parallel_loop3A_355 : vector<16xi32>
      %parallel_loop3A_403 = arith.constant 5 : i32
      %parallel_loop3A_404 = vector.broadcast %parallel_loop3A_403 : i32 to vector<16xi32>
      %parallel_loop3A_405 = arith.muli %parallel_loop3A_402, %parallel_loop3A_404 : vector<16xi32>
      %parallel_loop3A_406 = vector.broadcast %parallel_loop3A_269 : i32 to vector<16xi32>
      %parallel_loop3A_407 = arith.addi %parallel_loop3A_406, %parallel_loop3A_405 : vector<16xi32>
      %parallel_loop3A_408 = tpu.vector_load_idx %arg4[%parallel_loop3A_407] : memref<25216xf32, #tpu.memory_space<vmem>>[vector<16xi32>], vector<16xf32>,
      %parallel_loop3A_409 = arith.mulf %parallel_loop3A_408, %parallel_loop3A_375 : vector<16xf32>
      %parallel_loop3A_410 = arith.constant 7 : i32
      %parallel_loop3A_411 = vector.broadcast %parallel_loop3A_410 : i32 to vector<16xi32>
      %parallel_loop3A_412 = arith.shrsi %parallel_loop3A_399, %parallel_loop3A_411 : vector<16xi32>
      %parallel_loop3A_413 = arith.constant 127 : i32
      %parallel_loop3A_414 = vector.broadcast %parallel_loop3A_413 : i32 to vector<16xi32>
      %parallel_loop3A_415 = arith.andi %parallel_loop3A_399, %parallel_loop3A_414 : vector<16xi32>
      tpu.vector_store_idx %arg5[%parallel_loop3A_412, %parallel_loop3A_415], %parallel_loop3A_409 masked %eq3A_55 {add = true} : memref<128x128xf32, #tpu.memory_space<vmem>>[vector<16xi32>, vector<16xi32>], vector<16xf32>, vector<16xi1>
      tpu.vector_store_idx %arg5[%parallel_loop3A_412, %parallel_loop3A_415], %parallel_loop3A_409 masked %eq3A_61 {add = true} : memref<128x128xf32, #tpu.memory_space<vmem>>[vector<16xi32>, vector<16xi32>], vector<16xf32>, vector<16xi1>
      tpu.vector_store_idx %arg5[%parallel_loop3A_412, %parallel_loop3A_415], %parallel_loop3A_409 masked %eq3A_67 {add = true} : memref<128x128xf32, #tpu.memory_space<vmem>>[vector<16xi32>, vector<16xi32>], vector<16xf32>, vector<16xi1>
      tpu.vector_store_idx %arg5[%parallel_loop3A_412, %parallel_loop3A_415], %parallel_loop3A_409 masked %eq3A_73 {add = true} : memref<128x128xf32, #tpu.memory_space<vmem>>[vector<16xi32>, vector<16xi32>], vector<16xf32>, vector<16xi1>
      %parallel_loop3A_416 = arith.constant 32 : i32
      %parallel_loop3A_417 = arith.addi %parallel_loop3A_275, %parallel_loop3A_416 : i32
      %parallel_loop3A_418 = arith.index_cast %parallel_loop3A_417 : i32 to index
      %parallel_loop3A_419 = tpu.vector_load %arg6[%parallel_loop3A_418] {strides = array<i32>} : memref<656xi32, #tpu.memory_space<vmem>>, vector<16xi32>,
      %parallel_loop3A_420 = arith.constant 8 : i32
      %parallel_loop3A_421 = vector.broadcast %parallel_loop3A_420 : i32 to vector<16xi32>
      %parallel_loop3A_422 = arith.addi %parallel_loop3A_421, %parallel_loop3A_355 : vector<16xi32>
      %parallel_loop3A_423 = arith.constant 5 : i32
      %parallel_loop3A_424 = vector.broadcast %parallel_loop3A_423 : i32 to vector<16xi32>
      %parallel_loop3A_425 = arith.muli %parallel_loop3A_422, %parallel_loop3A_424 : vector<16xi32>
      %parallel_loop3A_426 = vector.broadcast %parallel_loop3A_269 : i32 to vector<16xi32>
      %parallel_loop3A_427 = arith.addi %parallel_loop3A_426, %parallel_loop3A_425 : vector<16xi32>
      %parallel_loop3A_428 = tpu.vector_load_idx %arg4[%parallel_loop3A_427] : memref<25216xf32, #tpu.memory_space<vmem>>[vector<16xi32>], vector<16xf32>,
      %parallel_loop3A_429 = arith.mulf %parallel_loop3A_428, %parallel_loop3A_375 : vector<16xf32>
      %parallel_loop3A_430 = arith.constant 7 : i32
      %parallel_loop3A_431 = vector.broadcast %parallel_loop3A_430 : i32 to vector<16xi32>
      %parallel_loop3A_432 = arith.shrsi %parallel_loop3A_419, %parallel_loop3A_431 : vector<16xi32>
      %parallel_loop3A_433 = arith.constant 127 : i32
      %parallel_loop3A_434 = vector.broadcast %parallel_loop3A_433 : i32 to vector<16xi32>
      %parallel_loop3A_435 = arith.andi %parallel_loop3A_419, %parallel_loop3A_434 : vector<16xi32>
      tpu.vector_store_idx %arg5[%parallel_loop3A_432, %parallel_loop3A_435], %parallel_loop3A_429 masked %eq3A_55 {add = true} : memref<128x128xf32, #tpu.memory_space<vmem>>[vector<16xi32>, vector<16xi32>], vector<16xf32>, vector<16xi1>
      tpu.vector_store_idx %arg5[%parallel_loop3A_432, %parallel_loop3A_435], %parallel_loop3A_429 masked %eq3A_61 {add = true} : memref<128x128xf32, #tpu.memory_space<vmem>>[vector<16xi32>, vector<16xi32>], vector<16xf32>, vector<16xi1>
      tpu.vector_store_idx %arg5[%parallel_loop3A_432, %parallel_loop3A_435], %parallel_loop3A_429 masked %eq3A_67 {add = true} : memref<128x128xf32, #tpu.memory_space<vmem>>[vector<16xi32>, vector<16xi32>], vector<16xf32>, vector<16xi1>
      tpu.vector_store_idx %arg5[%parallel_loop3A_432, %parallel_loop3A_435], %parallel_loop3A_429 masked %eq3A_73 {add = true} : memref<128x128xf32, #tpu.memory_space<vmem>>[vector<16xi32>, vector<16xi32>], vector<16xf32>, vector<16xi1>
      %parallel_loop3A_436 = arith.constant 48 : i32
      %parallel_loop3A_437 = arith.addi %parallel_loop3A_275, %parallel_loop3A_436 : i32
      %parallel_loop3A_438 = arith.index_cast %parallel_loop3A_437 : i32 to index
      %parallel_loop3A_439 = tpu.vector_load %arg6[%parallel_loop3A_438] {strides = array<i32>} : memref<656xi32, #tpu.memory_space<vmem>>, vector<16xi32>,
      %parallel_loop3A_440 = arith.constant 12 : i32
      %parallel_loop3A_441 = vector.broadcast %parallel_loop3A_440 : i32 to vector<16xi32>
      %parallel_loop3A_442 = arith.addi %parallel_loop3A_441, %parallel_loop3A_355 : vector<16xi32>
      %parallel_loop3A_443 = arith.constant 5 : i32
      %parallel_loop3A_444 = vector.broadcast %parallel_loop3A_443 : i32 to vector<16xi32>
      %parallel_loop3A_445 = arith.muli %parallel_loop3A_442, %parallel_loop3A_444 : vector<16xi32>
      %parallel_loop3A_446 = vector.broadcast %parallel_loop3A_269 : i32 to vector<16xi32>
      %parallel_loop3A_447 = arith.addi %parallel_loop3A_446, %parallel_loop3A_445 : vector<16xi32>
      %parallel_loop3A_448 = tpu.vector_load_idx %arg4[%parallel_loop3A_447] : memref<25216xf32, #tpu.memory_space<vmem>>[vector<16xi32>], vector<16xf32>,
      %parallel_loop3A_449 = arith.mulf %parallel_loop3A_448, %parallel_loop3A_375 : vector<16xf32>
      %parallel_loop3A_450 = arith.constant 7 : i32
      %parallel_loop3A_451 = vector.broadcast %parallel_loop3A_450 : i32 to vector<16xi32>
      %parallel_loop3A_452 = arith.shrsi %parallel_loop3A_439, %parallel_loop3A_451 : vector<16xi32>
      %parallel_loop3A_453 = arith.constant 127 : i32
      %parallel_loop3A_454 = vector.broadcast %parallel_loop3A_453 : i32 to vector<16xi32>
      %parallel_loop3A_455 = arith.andi %parallel_loop3A_439, %parallel_loop3A_454 : vector<16xi32>
      tpu.vector_store_idx %arg5[%parallel_loop3A_452, %parallel_loop3A_455], %parallel_loop3A_449 masked %eq3A_55 {add = true} : memref<128x128xf32, #tpu.memory_space<vmem>>[vector<16xi32>, vector<16xi32>], vector<16xf32>, vector<16xi1>
      tpu.vector_store_idx %arg5[%parallel_loop3A_452, %parallel_loop3A_455], %parallel_loop3A_449 masked %eq3A_61 {add = true} : memref<128x128xf32, #tpu.memory_space<vmem>>[vector<16xi32>, vector<16xi32>], vector<16xf32>, vector<16xi1>
      tpu.vector_store_idx %arg5[%parallel_loop3A_452, %parallel_loop3A_455], %parallel_loop3A_449 masked %eq3A_67 {add = true} : memref<128x128xf32, #tpu.memory_space<vmem>>[vector<16xi32>, vector<16xi32>], vector<16xf32>, vector<16xi1>
      tpu.vector_store_idx %arg5[%parallel_loop3A_452, %parallel_loop3A_455], %parallel_loop3A_449 masked %eq3A_73 {add = true} : memref<128x128xf32, #tpu.memory_space<vmem>>[vector<16xi32>, vector<16xi32>], vector<16xf32>, vector<16xi1>
    } {sc.loop_unroll_factor = 2 : i64, sc.parallel_access}
    "tpu.region"() ({
      %run_scoped3A = tpu.sem_alloc : memref<!tpu.dma_semaphore, #tpu.memory_space<semaphore_mem>>
      %dma_start3A_78 = arith.constant 0 : i32
      %dma_start3A_79 = arith.constant 0 : i32
      %dma_start3A_80 = tpu.memref_slice %arg3[%select_n3A, %select_n3A_30, %dma_start3A_78, %dma_start3A_79] : memref<8x4x128x128xf32, #tpu.memory_space<hbm>> -> memref<1x1x128x128xf32, #tpu.memory_space<hbm>>
      %dma_start3A_81 = tpu.memref_squeeze %dma_start3A_80 : memref<1x1x128x128xf32, #tpu.memory_space<hbm>> -> memref<128x128xf32, #tpu.memory_space<hbm>>
      %dma_start3A_82 = arith.constant 0 : i32
      %dma_start3A_83 = arith.constant 0 : i32
      %dma_start3A_84 = tpu.memref_slice %arg3[%select_n3A, %select_n3A_30, %dma_start3A_82, %dma_start3A_83] : memref<8x4x128x128xf32, #tpu.memory_space<hbm>> -> memref<1x1x128x128xf32, #tpu.memory_space<hbm>>
      %dma_start3A_85 = tpu.memref_squeeze %dma_start3A_84 : memref<1x1x128x128xf32, #tpu.memory_space<hbm>> -> memref<128x128xf32, #tpu.memory_space<hbm>>
      tpu.enqueue_dma source(%arg5 : memref<128x128xf32, #tpu.memory_space<vmem>>) target(%dma_start3A_85 : memref<128x128xf32, #tpu.memory_space<hbm>>) target_semaphore(%run_scoped3A : memref<!tpu.dma_semaphore, #tpu.memory_space<semaphore_mem>>)
      %dma_wait3A_86 = arith.constant 0 : i32
      %dma_wait3A_87 = arith.constant 0 : i32
      %dma_wait3A_88 = tpu.memref_slice %arg3[%select_n3A, %select_n3A_30, %dma_wait3A_86, %dma_wait3A_87] : memref<8x4x128x128xf32, #tpu.memory_space<hbm>> -> memref<1x1x128x128xf32, #tpu.memory_space<hbm>>
      %dma_wait3A_89 = tpu.memref_squeeze %dma_wait3A_88 : memref<1x1x128x128xf32, #tpu.memory_space<hbm>> -> memref<128x128xf32, #tpu.memory_space<hbm>>
      %dma_wait3A_90 = arith.constant 0 : i32
      %dma_wait3A_91 = arith.constant 0 : i32
      %dma_wait3A_92 = tpu.memref_slice %arg3[%select_n3A, %select_n3A_30, %dma_wait3A_90, %dma_wait3A_91] : memref<8x4x128x128xf32, #tpu.memory_space<hbm>> -> memref<1x1x128x128xf32, #tpu.memory_space<hbm>>
      %dma_wait3A_93 = tpu.memref_squeeze %dma_wait3A_92 : memref<1x1x128x128xf32, #tpu.memory_space<hbm>> -> memref<128x128xf32, #tpu.memory_space<hbm>>
      tpu.wait_dma2 semaphore(%run_scoped3A : memref<!tpu.dma_semaphore, #tpu.memory_space<semaphore_mem>>) src(%arg5 : memref<128x128xf32, #tpu.memory_space<vmem>>) dst(%dma_wait3A_93 : memref<128x128xf32, #tpu.memory_space<hbm>>)
      tpu.yield
    }) : () -> ()
    return
  }
}

module attributes {stable_mosaic.version = 14 : i64} {
  func.func @_tc_finish_kernel(%arg0: memref<8x4x128x128xf32, #tpu.memory_space<vmem>>, %arg1: memref<8x128x128xf32, #tpu.memory_space<vmem>>) attributes {dimension_semantics = [], scalar_prefetch = 0 : i64, scratch_operands = 0 : i64, tpu.core_type = #tpu.core_type<tc>} {
    %iota3A = tpu.iota {dimensions = array<i32: 0>} : vector<128x128xi32>
    %iota3A_0 = tpu.iota {dimensions = array<i32: 1>} : vector<128x128xi32>
    %le3A = arith.cmpi sle, %iota3A_0, %iota3A : vector<128x128xi32>
    %convert_element_type3A = arith.extui %le3A : vector<128x128xi1> to vector<128x128xi32>
    %convert_element_type3A_1 = arith.sitofp %convert_element_type3A : vector<128x128xi32> to vector<128x128xf32>
    %get3A = arith.constant 0 : index
    %get3A_2 = arith.constant 0 : index
    %get3A_3 = arith.constant 0 : index
    %get3A_4 = arith.constant 0 : index
    %get3A_5 = vector.load %arg0[%get3A, %get3A_2, %get3A_3, %get3A_4] : memref<8x4x128x128xf32, #tpu.memory_space<vmem>>, vector<1x4x128x128xf32>
    %get3A_6 = vector.shape_cast %get3A_5 : vector<1x4x128x128xf32> to vector<4x128x128xf32>
    %slice3A = vector.extract_strided_slice %get3A_6 {offsets = [0, 0, 0], sizes = [1, 128, 128], strides = [1, 1, 1]} : vector<4x128x128xf32> to vector<1x128x128xf32>
    %squeeze3A = vector.shape_cast %slice3A : vector<1x128x128xf32> to vector<128x128xf32>
    %slice3A_7 = vector.extract_strided_slice %get3A_6 {offsets = [1, 0, 0], sizes = [1, 128, 128], strides = [1, 1, 1]} : vector<4x128x128xf32> to vector<1x128x128xf32>
    %squeeze3A_8 = vector.shape_cast %slice3A_7 : vector<1x128x128xf32> to vector<128x128xf32>
    %add3A = arith.addf %squeeze3A, %squeeze3A_8 : vector<128x128xf32>
    %slice3A_9 = vector.extract_strided_slice %get3A_6 {offsets = [2, 0, 0], sizes = [1, 128, 128], strides = [1, 1, 1]} : vector<4x128x128xf32> to vector<1x128x128xf32>
    %squeeze3A_10 = vector.shape_cast %slice3A_9 : vector<1x128x128xf32> to vector<128x128xf32>
    %add3A_11 = arith.addf %add3A, %squeeze3A_10 : vector<128x128xf32>
    %slice3A_12 = vector.extract_strided_slice %get3A_6 {offsets = [3, 0, 0], sizes = [1, 128, 128], strides = [1, 1, 1]} : vector<4x128x128xf32> to vector<1x128x128xf32>
    %squeeze3A_13 = vector.shape_cast %slice3A_12 : vector<1x128x128xf32> to vector<128x128xf32>
    %add3A_14 = arith.addf %add3A_11, %squeeze3A_13 : vector<128x128xf32>
    %dot_general3A = arith.constant dense<0.000000e+00> : vector<128x128xf32>
    %dot_general3A_15 = tpu.matmul %convert_element_type3A_1, %add3A_14, %dot_general3A {dimension_numbers = #tpu.dot_dimension_numbers<[1], [0], [0], [1], [0, 0, 1, 1], [], []>, transpose_lhs_hint = false} : vector<128x128xf32>, vector<128x128xf32>, vector<128x128xf32> -> vector<128x128xf32>
    %dot_general3A_16 = arith.constant dense<0.000000e+00> : vector<128x128xf32>
    %dot_general3A_17 = tpu.matmul %dot_general3A_15, %convert_element_type3A_1, %dot_general3A_16 {dimension_numbers = #tpu.dot_dimension_numbers<[1], [1], [0], [0], [0, 0, 1, 0], [], []>, transpose_lhs_hint = false} : vector<128x128xf32>, vector<128x128xf32>, vector<128x128xf32> -> vector<128x128xf32>
    %logistic3A = arith.negf %dot_general3A_17 : vector<128x128xf32>
    %logistic3A_18 = math.exp %logistic3A : vector<128x128xf32>
    %logistic3A_19 = arith.constant 1.000000e+00 : f32
    %logistic3A_20 = vector.broadcast %logistic3A_19 : f32 to vector<128x128xf32>
    %logistic3A_21 = arith.addf %logistic3A_20, %logistic3A_18 : vector<128x128xf32>
    %logistic3A_22 = arith.divf %logistic3A_20, %logistic3A_21 : vector<128x128xf32>
    %swap3A = arith.constant 0 : index
    %swap3A_23 = arith.constant 0 : index
    %swap3A_24 = arith.constant 0 : index
    %swap3A_25 = vector.load %arg1[%swap3A, %swap3A_23, %swap3A_24] : memref<8x128x128xf32, #tpu.memory_space<vmem>>, vector<1x128x128xf32>
    %swap3A_26 = vector.shape_cast %swap3A_25 : vector<1x128x128xf32> to vector<128x128xf32>
    %swap3A_27 = vector.shape_cast %logistic3A_22 : vector<128x128xf32> to vector<1x128x128xf32>
    tpu.vector_store %arg1[%swap3A, %swap3A_23, %swap3A_24], %swap3A_27 {strides = array<i32>} : memref<8x128x128xf32, #tpu.memory_space<vmem>>, vector<1x128x128xf32>,
    %get3A_28 = arith.constant 1 : index
    %get3A_29 = arith.constant 0 : index
    %get3A_30 = arith.constant 0 : index
    %get3A_31 = arith.constant 0 : index
    %get3A_32 = vector.load %arg0[%get3A_28, %get3A_29, %get3A_30, %get3A_31] : memref<8x4x128x128xf32, #tpu.memory_space<vmem>>, vector<1x4x128x128xf32>
    %get3A_33 = vector.shape_cast %get3A_32 : vector<1x4x128x128xf32> to vector<4x128x128xf32>
    %slice3A_34 = vector.extract_strided_slice %get3A_33 {offsets = [0, 0, 0], sizes = [1, 128, 128], strides = [1, 1, 1]} : vector<4x128x128xf32> to vector<1x128x128xf32>
    %squeeze3A_35 = vector.shape_cast %slice3A_34 : vector<1x128x128xf32> to vector<128x128xf32>
    %slice3A_36 = vector.extract_strided_slice %get3A_33 {offsets = [1, 0, 0], sizes = [1, 128, 128], strides = [1, 1, 1]} : vector<4x128x128xf32> to vector<1x128x128xf32>
    %squeeze3A_37 = vector.shape_cast %slice3A_36 : vector<1x128x128xf32> to vector<128x128xf32>
    %add3A_38 = arith.addf %squeeze3A_35, %squeeze3A_37 : vector<128x128xf32>
    %slice3A_39 = vector.extract_strided_slice %get3A_33 {offsets = [2, 0, 0], sizes = [1, 128, 128], strides = [1, 1, 1]} : vector<4x128x128xf32> to vector<1x128x128xf32>
    %squeeze3A_40 = vector.shape_cast %slice3A_39 : vector<1x128x128xf32> to vector<128x128xf32>
    %add3A_41 = arith.addf %add3A_38, %squeeze3A_40 : vector<128x128xf32>
    %slice3A_42 = vector.extract_strided_slice %get3A_33 {offsets = [3, 0, 0], sizes = [1, 128, 128], strides = [1, 1, 1]} : vector<4x128x128xf32> to vector<1x128x128xf32>
    %squeeze3A_43 = vector.shape_cast %slice3A_42 : vector<1x128x128xf32> to vector<128x128xf32>
    %add3A_44 = arith.addf %add3A_41, %squeeze3A_43 : vector<128x128xf32>
    %dot_general3A_45 = arith.constant dense<0.000000e+00> : vector<128x128xf32>
    %dot_general3A_46 = tpu.matmul %convert_element_type3A_1, %add3A_44, %dot_general3A_45 {dimension_numbers = #tpu.dot_dimension_numbers<[1], [0], [0], [1], [0, 0, 1, 1], [], []>, transpose_lhs_hint = false} : vector<128x128xf32>, vector<128x128xf32>, vector<128x128xf32> -> vector<128x128xf32>
    %dot_general3A_47 = arith.constant dense<0.000000e+00> : vector<128x128xf32>
    %dot_general3A_48 = tpu.matmul %dot_general3A_46, %convert_element_type3A_1, %dot_general3A_47 {dimension_numbers = #tpu.dot_dimension_numbers<[1], [1], [0], [0], [0, 0, 1, 0], [], []>, transpose_lhs_hint = false} : vector<128x128xf32>, vector<128x128xf32>, vector<128x128xf32> -> vector<128x128xf32>
    %logistic3A_49 = arith.negf %dot_general3A_48 : vector<128x128xf32>
    %logistic3A_50 = math.exp %logistic3A_49 : vector<128x128xf32>
    %logistic3A_51 = arith.constant 1.000000e+00 : f32
    %logistic3A_52 = vector.broadcast %logistic3A_51 : f32 to vector<128x128xf32>
    %logistic3A_53 = arith.addf %logistic3A_52, %logistic3A_50 : vector<128x128xf32>
    %logistic3A_54 = arith.divf %logistic3A_52, %logistic3A_53 : vector<128x128xf32>
    %swap3A_55 = arith.constant 1 : index
    %swap3A_56 = arith.constant 0 : index
    %swap3A_57 = arith.constant 0 : index
    %swap3A_58 = vector.load %arg1[%swap3A_55, %swap3A_56, %swap3A_57] : memref<8x128x128xf32, #tpu.memory_space<vmem>>, vector<1x128x128xf32>
    %swap3A_59 = vector.shape_cast %swap3A_58 : vector<1x128x128xf32> to vector<128x128xf32>
    %swap3A_60 = vector.shape_cast %logistic3A_54 : vector<128x128xf32> to vector<1x128x128xf32>
    tpu.vector_store %arg1[%swap3A_55, %swap3A_56, %swap3A_57], %swap3A_60 {strides = array<i32>} : memref<8x128x128xf32, #tpu.memory_space<vmem>>, vector<1x128x128xf32>,
    %get3A_61 = arith.constant 2 : index
    %get3A_62 = arith.constant 0 : index
    %get3A_63 = arith.constant 0 : index
    %get3A_64 = arith.constant 0 : index
    %get3A_65 = vector.load %arg0[%get3A_61, %get3A_62, %get3A_63, %get3A_64] : memref<8x4x128x128xf32, #tpu.memory_space<vmem>>, vector<1x4x128x128xf32>
    %get3A_66 = vector.shape_cast %get3A_65 : vector<1x4x128x128xf32> to vector<4x128x128xf32>
    %slice3A_67 = vector.extract_strided_slice %get3A_66 {offsets = [0, 0, 0], sizes = [1, 128, 128], strides = [1, 1, 1]} : vector<4x128x128xf32> to vector<1x128x128xf32>
    %squeeze3A_68 = vector.shape_cast %slice3A_67 : vector<1x128x128xf32> to vector<128x128xf32>
    %slice3A_69 = vector.extract_strided_slice %get3A_66 {offsets = [1, 0, 0], sizes = [1, 128, 128], strides = [1, 1, 1]} : vector<4x128x128xf32> to vector<1x128x128xf32>
    %squeeze3A_70 = vector.shape_cast %slice3A_69 : vector<1x128x128xf32> to vector<128x128xf32>
    %add3A_71 = arith.addf %squeeze3A_68, %squeeze3A_70 : vector<128x128xf32>
    %slice3A_72 = vector.extract_strided_slice %get3A_66 {offsets = [2, 0, 0], sizes = [1, 128, 128], strides = [1, 1, 1]} : vector<4x128x128xf32> to vector<1x128x128xf32>
    %squeeze3A_73 = vector.shape_cast %slice3A_72 : vector<1x128x128xf32> to vector<128x128xf32>
    %add3A_74 = arith.addf %add3A_71, %squeeze3A_73 : vector<128x128xf32>
    %slice3A_75 = vector.extract_strided_slice %get3A_66 {offsets = [3, 0, 0], sizes = [1, 128, 128], strides = [1, 1, 1]} : vector<4x128x128xf32> to vector<1x128x128xf32>
    %squeeze3A_76 = vector.shape_cast %slice3A_75 : vector<1x128x128xf32> to vector<128x128xf32>
    %add3A_77 = arith.addf %add3A_74, %squeeze3A_76 : vector<128x128xf32>
    %dot_general3A_78 = arith.constant dense<0.000000e+00> : vector<128x128xf32>
    %dot_general3A_79 = tpu.matmul %convert_element_type3A_1, %add3A_77, %dot_general3A_78 {dimension_numbers = #tpu.dot_dimension_numbers<[1], [0], [0], [1], [0, 0, 1, 1], [], []>, transpose_lhs_hint = false} : vector<128x128xf32>, vector<128x128xf32>, vector<128x128xf32> -> vector<128x128xf32>
    %dot_general3A_80 = arith.constant dense<0.000000e+00> : vector<128x128xf32>
    %dot_general3A_81 = tpu.matmul %dot_general3A_79, %convert_element_type3A_1, %dot_general3A_80 {dimension_numbers = #tpu.dot_dimension_numbers<[1], [1], [0], [0], [0, 0, 1, 0], [], []>, transpose_lhs_hint = false} : vector<128x128xf32>, vector<128x128xf32>, vector<128x128xf32> -> vector<128x128xf32>
    %logistic3A_82 = arith.negf %dot_general3A_81 : vector<128x128xf32>
    %logistic3A_83 = math.exp %logistic3A_82 : vector<128x128xf32>
    %logistic3A_84 = arith.constant 1.000000e+00 : f32
    %logistic3A_85 = vector.broadcast %logistic3A_84 : f32 to vector<128x128xf32>
    %logistic3A_86 = arith.addf %logistic3A_85, %logistic3A_83 : vector<128x128xf32>
    %logistic3A_87 = arith.divf %logistic3A_85, %logistic3A_86 : vector<128x128xf32>
    %swap3A_88 = arith.constant 2 : index
    %swap3A_89 = arith.constant 0 : index
    %swap3A_90 = arith.constant 0 : index
    %swap3A_91 = vector.load %arg1[%swap3A_88, %swap3A_89, %swap3A_90] : memref<8x128x128xf32, #tpu.memory_space<vmem>>, vector<1x128x128xf32>
    %swap3A_92 = vector.shape_cast %swap3A_91 : vector<1x128x128xf32> to vector<128x128xf32>
    %swap3A_93 = vector.shape_cast %logistic3A_87 : vector<128x128xf32> to vector<1x128x128xf32>
    tpu.vector_store %arg1[%swap3A_88, %swap3A_89, %swap3A_90], %swap3A_93 {strides = array<i32>} : memref<8x128x128xf32, #tpu.memory_space<vmem>>, vector<1x128x128xf32>,
    %get3A_94 = arith.constant 3 : index
    %get3A_95 = arith.constant 0 : index
    %get3A_96 = arith.constant 0 : index
    %get3A_97 = arith.constant 0 : index
    %get3A_98 = vector.load %arg0[%get3A_94, %get3A_95, %get3A_96, %get3A_97] : memref<8x4x128x128xf32, #tpu.memory_space<vmem>>, vector<1x4x128x128xf32>
    %get3A_99 = vector.shape_cast %get3A_98 : vector<1x4x128x128xf32> to vector<4x128x128xf32>
    %slice3A_100 = vector.extract_strided_slice %get3A_99 {offsets = [0, 0, 0], sizes = [1, 128, 128], strides = [1, 1, 1]} : vector<4x128x128xf32> to vector<1x128x128xf32>
    %squeeze3A_101 = vector.shape_cast %slice3A_100 : vector<1x128x128xf32> to vector<128x128xf32>
    %slice3A_102 = vector.extract_strided_slice %get3A_99 {offsets = [1, 0, 0], sizes = [1, 128, 128], strides = [1, 1, 1]} : vector<4x128x128xf32> to vector<1x128x128xf32>
    %squeeze3A_103 = vector.shape_cast %slice3A_102 : vector<1x128x128xf32> to vector<128x128xf32>
    %add3A_104 = arith.addf %squeeze3A_101, %squeeze3A_103 : vector<128x128xf32>
    %slice3A_105 = vector.extract_strided_slice %get3A_99 {offsets = [2, 0, 0], sizes = [1, 128, 128], strides = [1, 1, 1]} : vector<4x128x128xf32> to vector<1x128x128xf32>
    %squeeze3A_106 = vector.shape_cast %slice3A_105 : vector<1x128x128xf32> to vector<128x128xf32>
    %add3A_107 = arith.addf %add3A_104, %squeeze3A_106 : vector<128x128xf32>
    %slice3A_108 = vector.extract_strided_slice %get3A_99 {offsets = [3, 0, 0], sizes = [1, 128, 128], strides = [1, 1, 1]} : vector<4x128x128xf32> to vector<1x128x128xf32>
    %squeeze3A_109 = vector.shape_cast %slice3A_108 : vector<1x128x128xf32> to vector<128x128xf32>
    %add3A_110 = arith.addf %add3A_107, %squeeze3A_109 : vector<128x128xf32>
    %dot_general3A_111 = arith.constant dense<0.000000e+00> : vector<128x128xf32>
    %dot_general3A_112 = tpu.matmul %convert_element_type3A_1, %add3A_110, %dot_general3A_111 {dimension_numbers = #tpu.dot_dimension_numbers<[1], [0], [0], [1], [0, 0, 1, 1], [], []>, transpose_lhs_hint = false} : vector<128x128xf32>, vector<128x128xf32>, vector<128x128xf32> -> vector<128x128xf32>
    %dot_general3A_113 = arith.constant dense<0.000000e+00> : vector<128x128xf32>
    %dot_general3A_114 = tpu.matmul %dot_general3A_112, %convert_element_type3A_1, %dot_general3A_113 {dimension_numbers = #tpu.dot_dimension_numbers<[1], [1], [0], [0], [0, 0, 1, 0], [], []>, transpose_lhs_hint = false} : vector<128x128xf32>, vector<128x128xf32>, vector<128x128xf32> -> vector<128x128xf32>
    %logistic3A_115 = arith.negf %dot_general3A_114 : vector<128x128xf32>
    %logistic3A_116 = math.exp %logistic3A_115 : vector<128x128xf32>
    %logistic3A_117 = arith.constant 1.000000e+00 : f32
    %logistic3A_118 = vector.broadcast %logistic3A_117 : f32 to vector<128x128xf32>
    %logistic3A_119 = arith.addf %logistic3A_118, %logistic3A_116 : vector<128x128xf32>
    %logistic3A_120 = arith.divf %logistic3A_118, %logistic3A_119 : vector<128x128xf32>
    %swap3A_121 = arith.constant 3 : index
    %swap3A_122 = arith.constant 0 : index
    %swap3A_123 = arith.constant 0 : index
    %swap3A_124 = vector.load %arg1[%swap3A_121, %swap3A_122, %swap3A_123] : memref<8x128x128xf32, #tpu.memory_space<vmem>>, vector<1x128x128xf32>
    %swap3A_125 = vector.shape_cast %swap3A_124 : vector<1x128x128xf32> to vector<128x128xf32>
    %swap3A_126 = vector.shape_cast %logistic3A_120 : vector<128x128xf32> to vector<1x128x128xf32>
    tpu.vector_store %arg1[%swap3A_121, %swap3A_122, %swap3A_123], %swap3A_126 {strides = array<i32>} : memref<8x128x128xf32, #tpu.memory_space<vmem>>, vector<1x128x128xf32>,
    %get3A_127 = arith.constant 4 : index
    %get3A_128 = arith.constant 0 : index
    %get3A_129 = arith.constant 0 : index
    %get3A_130 = arith.constant 0 : index
    %get3A_131 = vector.load %arg0[%get3A_127, %get3A_128, %get3A_129, %get3A_130] : memref<8x4x128x128xf32, #tpu.memory_space<vmem>>, vector<1x4x128x128xf32>
    %get3A_132 = vector.shape_cast %get3A_131 : vector<1x4x128x128xf32> to vector<4x128x128xf32>
    %slice3A_133 = vector.extract_strided_slice %get3A_132 {offsets = [0, 0, 0], sizes = [1, 128, 128], strides = [1, 1, 1]} : vector<4x128x128xf32> to vector<1x128x128xf32>
    %squeeze3A_134 = vector.shape_cast %slice3A_133 : vector<1x128x128xf32> to vector<128x128xf32>
    %slice3A_135 = vector.extract_strided_slice %get3A_132 {offsets = [1, 0, 0], sizes = [1, 128, 128], strides = [1, 1, 1]} : vector<4x128x128xf32> to vector<1x128x128xf32>
    %squeeze3A_136 = vector.shape_cast %slice3A_135 : vector<1x128x128xf32> to vector<128x128xf32>
    %add3A_137 = arith.addf %squeeze3A_134, %squeeze3A_136 : vector<128x128xf32>
    %slice3A_138 = vector.extract_strided_slice %get3A_132 {offsets = [2, 0, 0], sizes = [1, 128, 128], strides = [1, 1, 1]} : vector<4x128x128xf32> to vector<1x128x128xf32>
    %squeeze3A_139 = vector.shape_cast %slice3A_138 : vector<1x128x128xf32> to vector<128x128xf32>
    %add3A_140 = arith.addf %add3A_137, %squeeze3A_139 : vector<128x128xf32>
    %slice3A_141 = vector.extract_strided_slice %get3A_132 {offsets = [3, 0, 0], sizes = [1, 128, 128], strides = [1, 1, 1]} : vector<4x128x128xf32> to vector<1x128x128xf32>
    %squeeze3A_142 = vector.shape_cast %slice3A_141 : vector<1x128x128xf32> to vector<128x128xf32>
    %add3A_143 = arith.addf %add3A_140, %squeeze3A_142 : vector<128x128xf32>
    %dot_general3A_144 = arith.constant dense<0.000000e+00> : vector<128x128xf32>
    %dot_general3A_145 = tpu.matmul %convert_element_type3A_1, %add3A_143, %dot_general3A_144 {dimension_numbers = #tpu.dot_dimension_numbers<[1], [0], [0], [1], [0, 0, 1, 1], [], []>, transpose_lhs_hint = false} : vector<128x128xf32>, vector<128x128xf32>, vector<128x128xf32> -> vector<128x128xf32>
    %dot_general3A_146 = arith.constant dense<0.000000e+00> : vector<128x128xf32>
    %dot_general3A_147 = tpu.matmul %dot_general3A_145, %convert_element_type3A_1, %dot_general3A_146 {dimension_numbers = #tpu.dot_dimension_numbers<[1], [1], [0], [0], [0, 0, 1, 0], [], []>, transpose_lhs_hint = false} : vector<128x128xf32>, vector<128x128xf32>, vector<128x128xf32> -> vector<128x128xf32>
    %logistic3A_148 = arith.negf %dot_general3A_147 : vector<128x128xf32>
    %logistic3A_149 = math.exp %logistic3A_148 : vector<128x128xf32>
    %logistic3A_150 = arith.constant 1.000000e+00 : f32
    %logistic3A_151 = vector.broadcast %logistic3A_150 : f32 to vector<128x128xf32>
    %logistic3A_152 = arith.addf %logistic3A_151, %logistic3A_149 : vector<128x128xf32>
    %logistic3A_153 = arith.divf %logistic3A_151, %logistic3A_152 : vector<128x128xf32>
    %swap3A_154 = arith.constant 4 : index
    %swap3A_155 = arith.constant 0 : index
    %swap3A_156 = arith.constant 0 : index
    %swap3A_157 = vector.load %arg1[%swap3A_154, %swap3A_155, %swap3A_156] : memref<8x128x128xf32, #tpu.memory_space<vmem>>, vector<1x128x128xf32>
    %swap3A_158 = vector.shape_cast %swap3A_157 : vector<1x128x128xf32> to vector<128x128xf32>
    %swap3A_159 = vector.shape_cast %logistic3A_153 : vector<128x128xf32> to vector<1x128x128xf32>
    tpu.vector_store %arg1[%swap3A_154, %swap3A_155, %swap3A_156], %swap3A_159 {strides = array<i32>} : memref<8x128x128xf32, #tpu.memory_space<vmem>>, vector<1x128x128xf32>,
    %get3A_160 = arith.constant 5 : index
    %get3A_161 = arith.constant 0 : index
    %get3A_162 = arith.constant 0 : index
    %get3A_163 = arith.constant 0 : index
    %get3A_164 = vector.load %arg0[%get3A_160, %get3A_161, %get3A_162, %get3A_163] : memref<8x4x128x128xf32, #tpu.memory_space<vmem>>, vector<1x4x128x128xf32>
    %get3A_165 = vector.shape_cast %get3A_164 : vector<1x4x128x128xf32> to vector<4x128x128xf32>
    %slice3A_166 = vector.extract_strided_slice %get3A_165 {offsets = [0, 0, 0], sizes = [1, 128, 128], strides = [1, 1, 1]} : vector<4x128x128xf32> to vector<1x128x128xf32>
    %squeeze3A_167 = vector.shape_cast %slice3A_166 : vector<1x128x128xf32> to vector<128x128xf32>
    %slice3A_168 = vector.extract_strided_slice %get3A_165 {offsets = [1, 0, 0], sizes = [1, 128, 128], strides = [1, 1, 1]} : vector<4x128x128xf32> to vector<1x128x128xf32>
    %squeeze3A_169 = vector.shape_cast %slice3A_168 : vector<1x128x128xf32> to vector<128x128xf32>
    %add3A_170 = arith.addf %squeeze3A_167, %squeeze3A_169 : vector<128x128xf32>
    %slice3A_171 = vector.extract_strided_slice %get3A_165 {offsets = [2, 0, 0], sizes = [1, 128, 128], strides = [1, 1, 1]} : vector<4x128x128xf32> to vector<1x128x128xf32>
    %squeeze3A_172 = vector.shape_cast %slice3A_171 : vector<1x128x128xf32> to vector<128x128xf32>
    %add3A_173 = arith.addf %add3A_170, %squeeze3A_172 : vector<128x128xf32>
    %slice3A_174 = vector.extract_strided_slice %get3A_165 {offsets = [3, 0, 0], sizes = [1, 128, 128], strides = [1, 1, 1]} : vector<4x128x128xf32> to vector<1x128x128xf32>
    %squeeze3A_175 = vector.shape_cast %slice3A_174 : vector<1x128x128xf32> to vector<128x128xf32>
    %add3A_176 = arith.addf %add3A_173, %squeeze3A_175 : vector<128x128xf32>
    %dot_general3A_177 = arith.constant dense<0.000000e+00> : vector<128x128xf32>
    %dot_general3A_178 = tpu.matmul %convert_element_type3A_1, %add3A_176, %dot_general3A_177 {dimension_numbers = #tpu.dot_dimension_numbers<[1], [0], [0], [1], [0, 0, 1, 1], [], []>, transpose_lhs_hint = false} : vector<128x128xf32>, vector<128x128xf32>, vector<128x128xf32> -> vector<128x128xf32>
    %dot_general3A_179 = arith.constant dense<0.000000e+00> : vector<128x128xf32>
    %dot_general3A_180 = tpu.matmul %dot_general3A_178, %convert_element_type3A_1, %dot_general3A_179 {dimension_numbers = #tpu.dot_dimension_numbers<[1], [1], [0], [0], [0, 0, 1, 0], [], []>, transpose_lhs_hint = false} : vector<128x128xf32>, vector<128x128xf32>, vector<128x128xf32> -> vector<128x128xf32>
    %logistic3A_181 = arith.negf %dot_general3A_180 : vector<128x128xf32>
    %logistic3A_182 = math.exp %logistic3A_181 : vector<128x128xf32>
    %logistic3A_183 = arith.constant 1.000000e+00 : f32
    %logistic3A_184 = vector.broadcast %logistic3A_183 : f32 to vector<128x128xf32>
    %logistic3A_185 = arith.addf %logistic3A_184, %logistic3A_182 : vector<128x128xf32>
    %logistic3A_186 = arith.divf %logistic3A_184, %logistic3A_185 : vector<128x128xf32>
    %swap3A_187 = arith.constant 5 : index
    %swap3A_188 = arith.constant 0 : index
    %swap3A_189 = arith.constant 0 : index
    %swap3A_190 = vector.load %arg1[%swap3A_187, %swap3A_188, %swap3A_189] : memref<8x128x128xf32, #tpu.memory_space<vmem>>, vector<1x128x128xf32>
    %swap3A_191 = vector.shape_cast %swap3A_190 : vector<1x128x128xf32> to vector<128x128xf32>
    %swap3A_192 = vector.shape_cast %logistic3A_186 : vector<128x128xf32> to vector<1x128x128xf32>
    tpu.vector_store %arg1[%swap3A_187, %swap3A_188, %swap3A_189], %swap3A_192 {strides = array<i32>} : memref<8x128x128xf32, #tpu.memory_space<vmem>>, vector<1x128x128xf32>,
    %get3A_193 = arith.constant 6 : index
    %get3A_194 = arith.constant 0 : index
    %get3A_195 = arith.constant 0 : index
    %get3A_196 = arith.constant 0 : index
    %get3A_197 = vector.load %arg0[%get3A_193, %get3A_194, %get3A_195, %get3A_196] : memref<8x4x128x128xf32, #tpu.memory_space<vmem>>, vector<1x4x128x128xf32>
    %get3A_198 = vector.shape_cast %get3A_197 : vector<1x4x128x128xf32> to vector<4x128x128xf32>
    %slice3A_199 = vector.extract_strided_slice %get3A_198 {offsets = [0, 0, 0], sizes = [1, 128, 128], strides = [1, 1, 1]} : vector<4x128x128xf32> to vector<1x128x128xf32>
    %squeeze3A_200 = vector.shape_cast %slice3A_199 : vector<1x128x128xf32> to vector<128x128xf32>
    %slice3A_201 = vector.extract_strided_slice %get3A_198 {offsets = [1, 0, 0], sizes = [1, 128, 128], strides = [1, 1, 1]} : vector<4x128x128xf32> to vector<1x128x128xf32>
    %squeeze3A_202 = vector.shape_cast %slice3A_201 : vector<1x128x128xf32> to vector<128x128xf32>
    %add3A_203 = arith.addf %squeeze3A_200, %squeeze3A_202 : vector<128x128xf32>
    %slice3A_204 = vector.extract_strided_slice %get3A_198 {offsets = [2, 0, 0], sizes = [1, 128, 128], strides = [1, 1, 1]} : vector<4x128x128xf32> to vector<1x128x128xf32>
    %squeeze3A_205 = vector.shape_cast %slice3A_204 : vector<1x128x128xf32> to vector<128x128xf32>
    %add3A_206 = arith.addf %add3A_203, %squeeze3A_205 : vector<128x128xf32>
    %slice3A_207 = vector.extract_strided_slice %get3A_198 {offsets = [3, 0, 0], sizes = [1, 128, 128], strides = [1, 1, 1]} : vector<4x128x128xf32> to vector<1x128x128xf32>
    %squeeze3A_208 = vector.shape_cast %slice3A_207 : vector<1x128x128xf32> to vector<128x128xf32>
    %add3A_209 = arith.addf %add3A_206, %squeeze3A_208 : vector<128x128xf32>
    %dot_general3A_210 = arith.constant dense<0.000000e+00> : vector<128x128xf32>
    %dot_general3A_211 = tpu.matmul %convert_element_type3A_1, %add3A_209, %dot_general3A_210 {dimension_numbers = #tpu.dot_dimension_numbers<[1], [0], [0], [1], [0, 0, 1, 1], [], []>, transpose_lhs_hint = false} : vector<128x128xf32>, vector<128x128xf32>, vector<128x128xf32> -> vector<128x128xf32>
    %dot_general3A_212 = arith.constant dense<0.000000e+00> : vector<128x128xf32>
    %dot_general3A_213 = tpu.matmul %dot_general3A_211, %convert_element_type3A_1, %dot_general3A_212 {dimension_numbers = #tpu.dot_dimension_numbers<[1], [1], [0], [0], [0, 0, 1, 0], [], []>, transpose_lhs_hint = false} : vector<128x128xf32>, vector<128x128xf32>, vector<128x128xf32> -> vector<128x128xf32>
    %logistic3A_214 = arith.negf %dot_general3A_213 : vector<128x128xf32>
    %logistic3A_215 = math.exp %logistic3A_214 : vector<128x128xf32>
    %logistic3A_216 = arith.constant 1.000000e+00 : f32
    %logistic3A_217 = vector.broadcast %logistic3A_216 : f32 to vector<128x128xf32>
    %logistic3A_218 = arith.addf %logistic3A_217, %logistic3A_215 : vector<128x128xf32>
    %logistic3A_219 = arith.divf %logistic3A_217, %logistic3A_218 : vector<128x128xf32>
    %swap3A_220 = arith.constant 6 : index
    %swap3A_221 = arith.constant 0 : index
    %swap3A_222 = arith.constant 0 : index
    %swap3A_223 = vector.load %arg1[%swap3A_220, %swap3A_221, %swap3A_222] : memref<8x128x128xf32, #tpu.memory_space<vmem>>, vector<1x128x128xf32>
    %swap3A_224 = vector.shape_cast %swap3A_223 : vector<1x128x128xf32> to vector<128x128xf32>
    %swap3A_225 = vector.shape_cast %logistic3A_219 : vector<128x128xf32> to vector<1x128x128xf32>
    tpu.vector_store %arg1[%swap3A_220, %swap3A_221, %swap3A_222], %swap3A_225 {strides = array<i32>} : memref<8x128x128xf32, #tpu.memory_space<vmem>>, vector<1x128x128xf32>,
    %get3A_226 = arith.constant 7 : index
    %get3A_227 = arith.constant 0 : index
    %get3A_228 = arith.constant 0 : index
    %get3A_229 = arith.constant 0 : index
    %get3A_230 = vector.load %arg0[%get3A_226, %get3A_227, %get3A_228, %get3A_229] : memref<8x4x128x128xf32, #tpu.memory_space<vmem>>, vector<1x4x128x128xf32>
    %get3A_231 = vector.shape_cast %get3A_230 : vector<1x4x128x128xf32> to vector<4x128x128xf32>
    %slice3A_232 = vector.extract_strided_slice %get3A_231 {offsets = [0, 0, 0], sizes = [1, 128, 128], strides = [1, 1, 1]} : vector<4x128x128xf32> to vector<1x128x128xf32>
    %squeeze3A_233 = vector.shape_cast %slice3A_232 : vector<1x128x128xf32> to vector<128x128xf32>
    %slice3A_234 = vector.extract_strided_slice %get3A_231 {offsets = [1, 0, 0], sizes = [1, 128, 128], strides = [1, 1, 1]} : vector<4x128x128xf32> to vector<1x128x128xf32>
    %squeeze3A_235 = vector.shape_cast %slice3A_234 : vector<1x128x128xf32> to vector<128x128xf32>
    %add3A_236 = arith.addf %squeeze3A_233, %squeeze3A_235 : vector<128x128xf32>
    %slice3A_237 = vector.extract_strided_slice %get3A_231 {offsets = [2, 0, 0], sizes = [1, 128, 128], strides = [1, 1, 1]} : vector<4x128x128xf32> to vector<1x128x128xf32>
    %squeeze3A_238 = vector.shape_cast %slice3A_237 : vector<1x128x128xf32> to vector<128x128xf32>
    %add3A_239 = arith.addf %add3A_236, %squeeze3A_238 : vector<128x128xf32>
    %slice3A_240 = vector.extract_strided_slice %get3A_231 {offsets = [3, 0, 0], sizes = [1, 128, 128], strides = [1, 1, 1]} : vector<4x128x128xf32> to vector<1x128x128xf32>
    %squeeze3A_241 = vector.shape_cast %slice3A_240 : vector<1x128x128xf32> to vector<128x128xf32>
    %add3A_242 = arith.addf %add3A_239, %squeeze3A_241 : vector<128x128xf32>
    %dot_general3A_243 = arith.constant dense<0.000000e+00> : vector<128x128xf32>
    %dot_general3A_244 = tpu.matmul %convert_element_type3A_1, %add3A_242, %dot_general3A_243 {dimension_numbers = #tpu.dot_dimension_numbers<[1], [0], [0], [1], [0, 0, 1, 1], [], []>, transpose_lhs_hint = false} : vector<128x128xf32>, vector<128x128xf32>, vector<128x128xf32> -> vector<128x128xf32>
    %dot_general3A_245 = arith.constant dense<0.000000e+00> : vector<128x128xf32>
    %dot_general3A_246 = tpu.matmul %dot_general3A_244, %convert_element_type3A_1, %dot_general3A_245 {dimension_numbers = #tpu.dot_dimension_numbers<[1], [1], [0], [0], [0, 0, 1, 0], [], []>, transpose_lhs_hint = false} : vector<128x128xf32>, vector<128x128xf32>, vector<128x128xf32> -> vector<128x128xf32>
    %logistic3A_247 = arith.negf %dot_general3A_246 : vector<128x128xf32>
    %logistic3A_248 = math.exp %logistic3A_247 : vector<128x128xf32>
    %logistic3A_249 = arith.constant 1.000000e+00 : f32
    %logistic3A_250 = vector.broadcast %logistic3A_249 : f32 to vector<128x128xf32>
    %logistic3A_251 = arith.addf %logistic3A_250, %logistic3A_248 : vector<128x128xf32>
    %logistic3A_252 = arith.divf %logistic3A_250, %logistic3A_251 : vector<128x128xf32>
    %swap3A_253 = arith.constant 7 : index
    %swap3A_254 = arith.constant 0 : index
    %swap3A_255 = arith.constant 0 : index
    %swap3A_256 = vector.load %arg1[%swap3A_253, %swap3A_254, %swap3A_255] : memref<8x128x128xf32, #tpu.memory_space<vmem>>, vector<1x128x128xf32>
    %swap3A_257 = vector.shape_cast %swap3A_256 : vector<1x128x128xf32> to vector<128x128xf32>
    %swap3A_258 = vector.shape_cast %logistic3A_252 : vector<128x128xf32> to vector<1x128x128xf32>
    tpu.vector_store %arg1[%swap3A_253, %swap3A_254, %swap3A_255], %swap3A_258 {strides = array<i32>} : memref<8x128x128xf32, #tpu.memory_space<vmem>>, vector<1x128x128xf32>,
    return
  }
}

</mosaic_0001>

<sc_bundles>
// kernel: kernel.4.cloned.1.call-start
scs
__scs_entry_jumppad:
0x0: {  	(pc) =	sbr.rel $0x88, $3  }
0x1: {  	(tag) =	ssettag $0x0;
	lr =	simm.s32 $0x1  }
0x2: {  	[smem:$0x3FA0] =	sst lr;
	_ =	strace $0xD0000000  }
0x3: {  	_ = 	snop  }
0x4: {  	_ = 	snop  }
0x5: {  	_ = 	snop  }
0x6: {  	_ = 	snop  }
0x7: {  	_ = 	snop  }
__scs_overlays_trampoline_lowered:
0x8: {  	[smem:$0x3FAF] =	sst s0  }
0x9: {  	[smem:$0x3FB0] =	sst s1  }
0xa: {  	[smem:$0x3FB1] =	sst s2  }
0xb: {  	[smem:$0x3FB2] =	sst s3  }
0xc: {  	[smem:$0x3FB3] =	sst s4  }
0xd: {  	[smem:$0x3FB4] =	sst s5  }
0xe: {  	[smem:$0x3FB5] =	sst s6  }
0xf: {  	[smem:$0x3FB6] =	sst s7  }
0x10: {  	[smem:$0x3FB7] =	sst s8  }
0x11: {  	[smem:$0x3FB8] =	sst s9;
	s0 =	simm.s32 @!p0 $0x0  }
0x12: {  	s1 =	sld [smem:$0x3F9E];
	s0 =	simm.s32 @p0 $0x1  }
0x13: {  	[smem:$0x3FB9] =	sst s0;
	s0 =	simm.s32 @!p1 $0x0  }
0x14: {  	s2 =	sld [smem:$0x3F9D];
	s0 =	simm.s32 @p1 $0x1  }
0x15: {  	[smem:$0x3FBA] =	sst s0;
	s0 =	simm.s32 @!p2 $0x0  }
0x16: {  	s3 =	sld [smem:$0x3FDB];
	s0 =	simm.s32 @p2 $0x1  }
0x17: {  	s4 =	simm.s32 $0x1BF5;
	[smem:$0x3FBC] =	sst s0  }
0x18: {  	s0 =	sld [smem:$0x3F9F];
	_ =	swait.ge [sflag:s4], $0x0  }
0x19: {  	s7 =	sld [smem:$0x3FA0]  }
0x1a: {  	s8 =	sadd.s32 $0xFFFFE003, lr  }
0x1b: {  	s9 =	sadd.s32 $0xFFFFFEF7, lr;
	s5 =	simm.s32 $0xFFFFFFFF;
	p2 =	slt.u32 s8, $0xFFFFF086  }
0x1c: {  	p1 =	slt.u32 s9, $0xF7A;
	s5 =	simm.s32 @!p2 $0x0  }
0x1d: {  	s5 =	simm.s32 @p1 $0x1;
	p0 =	seq.s32 s7, s2  }
0x1e: {  	s7 =	smul.u32 @!p0 $0xF7A, s2;
	p2 =	seq.s32 @!p0 s5, $0x0  }
0x1f: {  	s9 =	smul.u32 $0xF7A, s1;
	s8 =	simm.s32 @!p0 $0x1BF5;
	p2 =	por !p2, p0  }
0x20: {  	[sflag:s8] =	ssyncset.s32 @!p0 $0xFFFFF086;
	s6 =	sadd.s32 @!p0 s3, s7;
	s7 =	simm.s32 @!p0 $0x108  }
0x21: {  	s3 =	sadd.s32 s3, s9;
	s6 =	sadd.s32 @!p0 $0x88, s6;
	s7 =	simm.s32 @p2 $0x1082  }
0x22: {  	[simem:s7], [sflag:s8] =	dma.local @!p0 [hbm:s6], $0xF7A  }
0x23: {  	s9 =	sor.u32 $0xD0000000, s2;
	s6 =	simm.s32 $0x108;
	_ =	swait.ge @!p0 [sflag:s8], $0x0  }
0x24: {  	s3 =	sadd.s32 $0x88, s3;
	s6 =	simm.s32 @!p1 $0x1082;
	[sflag:s4] =	ssyncset.s32 $0xFFFFF086  }
0x25: {  	[simem:s6], [sflag:s4] =	dma.local [hbm:s3], $0xF7A  }
0x26: {  	[smem:$0x3FA0] =	sst s1;
	(tag) =	ssettag s2;
	_ =	strace s9  }
0x27: {  	s1 =	sld [smem:$0x3FB0]  }
0x28: {  	s2 =	sld [smem:$0x3FB1]  }
0x29: {  	s4 =	sld [smem:$0x3FB3]  }
0x2a: {  	p0 =	seq.s32 s5, $0x0;
	s5 =	sld [smem:$0x3FB4]  }
0x2b: {  	s6 =	sld [smem:$0x3FB5]  }
0x2c: {  	s7 =	sld [smem:$0x3FB6]  }
0x2d: {  	s3 =	simm.s32 $0x108;
	s8 =	sld [smem:$0x3FB7]  }
0x2e: {  	s3 =	simm.s32 @!p0 $0x1082;
	s9 =	sld [smem:$0x3FB8]  }
0x2f: {  	lr =	sadd.s32 s0, s3;
	s0 =	sld [smem:$0x3FAF]  }
0x30: {  	s3 =	sld [smem:$0x3FB2]  }
0x31: {  	[smem:$0x3FBB] =	sst s10  }
0x32: {  	s10 =	sld [smem:$0x3FB9];
	_ =	sdelay $0x3  }
0x33: {  	p0 =	seq.s32 s10, $0x1;
	s10 =	sld [smem:$0x3FBB];
	_ =	sdelay $0x3  }
0x34: {  	[smem:$0x3FBB] =	sst s10  }
0x35: {  	s10 =	sld [smem:$0x3FBA];
	_ =	sdelay $0x3  }
0x36: {  	p1 =	seq.s32 s10, $0x1;
	s10 =	sld [smem:$0x3FBB];
	_ =	sdelay $0x3  }
0x37: {  	[smem:$0x3FBB] =	sst s10  }
0x38: {  	s10 =	sld [smem:$0x3FBC]  }
0x39: {  	_ = 	snop;
	(pc) =	sbr.ind lr, $3  }
0x3a: {  	_ = 	snop  }
0x3b: {  	_ = 	snop  }
0x3c: {  	p2 =	seq.s32 s10, $0x1;
	s10 =	sld [smem:$0x3FBB]  }
0x3d: {  	_ =	shalt  }
0x3e: {  	_ =	shalt  }
0x3f: {  	_ =	shalt  }
0x40: {  	_ =	shalt  }
0x41: {  	_ =	shalt  }
0x42: {  	_ =	shalt  }
0x43: {  	_ =	shalt  }
0x44: {  	_ =	shalt  }
0x45: {  	_ =	shalt  }
0x46: {  	_ =	shalt  }
0x47: {  	_ =	shalt  }
0x48: {  	_ =	shalt  }
0x49: {  	_ =	shalt  }
0x4a: {  	_ =	shalt  }
0x4b: {  	_ =	shalt  }
0x4c: {  	_ =	shalt  }
0x4d: {  	_ =	shalt  }
0x4e: {  	_ =	shalt  }
0x4f: {  	_ =	shalt  }
0x50: {  	_ =	shalt  }
0x51: {  	_ =	shalt  }
0x52: {  	_ =	shalt  }
0x53: {  	_ =	shalt  }
0x54: {  	_ =	shalt  }
0x55: {  	_ =	shalt  }
0x56: {  	_ =	shalt  }
0x57: {  	_ =	shalt  }
0x58: {  	_ =	shalt  }
0x59: {  	_ =	shalt  }
0x5a: {  	_ =	shalt  }
0x5b: {  	_ =	shalt  }
0x5c: {  	_ =	shalt  }
0x5d: {  	_ =	shalt  }
0x5e: {  	_ =	shalt  }
0x5f: {  	_ =	shalt  }
0x60: {  	_ =	shalt  }
0x61: {  	_ =	shalt  }
0x62: {  	_ =	shalt  }
0x63: {  	_ =	shalt  }
0x64: {  	_ =	shalt  }
0x65: {  	_ =	shalt  }
0x66: {  	_ =	shalt  }
0x67: {  	_ =	shalt  }
0x68: {  	_ =	shalt  }
0x69: {  	_ =	shalt  }
0x6a: {  	_ =	shalt  }
0x6b: {  	_ =	shalt  }
0x6c: {  	_ =	shalt  }
0x6d: {  	_ =	shalt  }
0x6e: {  	_ =	shalt  }
0x6f: {  	_ =	shalt  }
0x70: {  	_ =	shalt  }
0x71: {  	_ =	shalt  }
0x72: {  	_ =	shalt  }
0x73: {  	_ =	shalt  }
0x74: {  	_ =	shalt  }
0x75: {  	_ =	shalt  }
0x76: {  	_ =	shalt  }
0x77: {  	_ =	shalt  }
0x78: {  	_ =	shalt  }
0x79: {  	_ =	shalt  }
0x7a: {  	_ =	shalt  }
0x7b: {  	_ =	shalt  }
0x7c: {  	_ =	shalt  }
0x7d: {  	_ =	shalt  }
0x7e: {  	_ =	shalt  }
0x7f: {  	_ =	shalt  }
0x80: {  	_ =	shalt  }
0x81: {  	_ =	shalt  }
0x82: {  	_ =	shalt  }
0x83: {  	_ =	shalt  }
0x84: {  	_ =	shalt  }
0x85: {  	_ =	shalt  }
0x86: {  	_ =	shalt  }
0x87: {  	_ =	shalt  }
.Lfunc_end0:
.L_simem_size_0:
called_computation_lowered:
.L_overlay_start_0:
0x88: {  	s2 =	sld [smem:$0x3FD9]  }
0x89: {  	s3 =	sld [smem:$0x3FFE];
	_ =	sdelay $0x1  }
0x8a: {  	s1 =	srdreg.scid  }
0x8b: {  	s0 =	sand.u32 $0x1, s1  }
0x8c: {  	s16 =	sshll.u32 s0, $0xA;
	s2 =	sadd.s32 s3, s2  }
0x8d: {  	s2 =	sadd.s32 s2, s16  }
0x8e: {  	[smem:$0x3FC7] =	sst s2  }
0x8f: {  	_ = 	snop  }
0x90: {  	(tm) =	ssettm $0x1  }
0x91: {  	s17 =	sld [smem:$0x3FFB];
	_ =	sdelay $0x3  }
0x92: {  	_ =	strace s17  }
0x93: {  	s2 =	sld [smem:$0x3FFC];
	_ =	sdelay $0x3  }
0x94: {  	_ =	strace s2  }
0x95: {  	s2 =	sld [smem:$0x3FFD];
	_ =	sdelay $0x3  }
0x96: {  	_ =	strace s2  }
0x97: {  	_ =	strace $0x8FFFFFFF  }
0x98: {  	s18 =	sld [smem:$0x3FDB];
	_ =	sdelay $0x1  }
0x99: {  	s19 =	simm.s32 $_scs_section_size  }
0x9a: {  	s4 =	simm.s32 $_size__tile_overlayer_lowered;
	s5 =	simm.s32 $_tile_overlayer_lowered  }
0x9b: {  	s22 =	simm.s32 $0x1BFF;
	s21 =	sshll.u32 s5, $0x1;
	s2 =	sadd.s32 s19, s18  }
0x9c: {  	s6 =	simm.s32 $0x0;
	s20 =	sshll.u32 s4, $0x1;
	s4 =	sadd.s32 s21, s2  }
0x9d: {  	[timem:s6], [sflag:s22] =	dma.local [hbm:s4], s20  }
0x9e: {  	_ =	swait.ge [sflag:s22], s20  }
0x9f: {  	s3 =	ssub.s32 $0x0, s20;
	[sflag:s22] =	ssyncset.done $0x0  }
0xa0: {  	[sflag:s22] =	ssyncadd.s32 s3;
	_ =	sdelay $0x1  }
0xa1: {  	s23 =	simm.s32 $0x1B8B  }
0xa2: {  	_ =	swait.ge [sflag:s23], $0x1  }
0xa3: {  	[sflag:s23] =	ssyncset.done $0x0  }
0xa4: {  	s25 =	simm.s32 $0x1B8E;
	s24 =	sld [smem:$0x3FFE];
	[sflag:s23] =	ssyncadd.s32 $0xFFFFFFFF  }
0xa5: {  	s26 =	simm.s32 $execute0_lowered;
	[smem:$0x3FD2] =	sst s25  }
0xa6: {  	s4 =	sshll.u32 s26, $0x1;
	_ =	strace $0x80000046;
	[dreg:$0x1] =	wrdreg $0xFFFFFFFF  }
0xa7: {  	s28 =	simm.s32 $_size_execute0_lowered;
	s2 =	sadd.s32 s2, s4;
	[dreg:$0x0] =	wrdreg $0x0  }
0xa8: {  	s4 =	sshll.u32 s28, $0x1;
	[dreg:$0x2] =	wrdreg s2  }
0xa9: {  	[dreg:$0x3] =	wrdreg s4  }
0xaa: {  	[dreg:$0x4] =	wrdreg $0xC0  }
0xab: {  	_ =	task [dreg:s6], $0x5FFFF  }
0xac: {  	[dreg:$0x1] =	wrdreg $0xFFFFFFFF  }
0xad: {  	[dreg:$0x0] =	wrdreg $0x60  }
0xae: {  	[dreg:$0x2] =	wrdreg s24  }
0xaf: {  	[dreg:$0x3] =	wrdreg $0x9  }
0xb0: {  	_ =	task.clear_ibuf [dreg:s6], $0x4FFFF;
	_ =	strace $0x90000046  }
0xb1: {  	s29 =	simm.s32 $0x9;
	_ =	strace $0x80000048  }
0xb2: {  	_ =	swait.ge [sflag:s29], $0x1  }
0xb3: {  	[sflag:s29] =	ssyncadd.s32 $0xFFFFFFFF  }
0xb4: {  	_ =	strace $0x90000048  }
0xb5: {  	_ =	sfence  }
0xb6: {  	s30 =	sld [smem:$0x0];
	_ =	sdelay $0x2  }
0xb7: {  	s31 =	sshll.u32 s1, $0xD;
	s1 =	sshrl.u32 s1, $0x2  }
0xb8: {  	s3 =	sand.u32 $0x4000, s31;
	s1 =	sadd.s32 s1, s30  }
0xb9: {  	s0 =	sor.u32 s3, s0;
	s1 =	sshll.u32 s1, $0x11  }
0xba: {  	s0 =	sor.u32 s1, s0  }
0xbb: {  	s0 =	sadd.s32 $0x8F2B, s0  }
0xbc: {  	[sflag:s0] =	ssyncadd.remote.s32 $0x1  }
0xbd: {  	_ =	sfence.sel $0xFFFF  }
0xbe: {  	[dreg:$0x0] =	wrdreg $0xFFFFFFFF;
	(pc) =	sbr.abs _section_cstart, $3  }
0xbf: {  	[dreg:$0x1] =	wrdreg $0xFFFFFFFF  }
0xc0: {  	_ =	task.clear_ibuf [dreg:s6], $0x2FFFF;
	_ =	strace $0x9FFFFFFF  }
0xc1: {  	(tm) =	ssettm $0x7FFFFFFF  }
tec
execute0_lowered:
.L_overlay_start_1:
0x0: {  	(tag) =	ssettag $0x1  }
0x1: {  	s3 =	rddreg [dreg:$0x0]  }
0x2: {  	s0 =	rddreg [dreg:$0x1];
	s2 =	simm.s32 $0x0  }
0x3: {  	s1 =	stileid.u32;
	s6 =	srdreg.scid;
	s11 =	simm.s32 $0x6280  }
0x4: {  	v10 =	vlaneseq.u32;
	v1 =	vimm.f32 $0.0e+00;
	v9 =	vimm.f32 $1.000000000e+00;
	s12 =	simm.s32 $0x2;
	s13 =	simm.s32 $0x0;
	[smem:$0x7FF] =	sst s2  }
0x5: {  	vm0 =	vcmask $0xB04;
	vm1 =	vcmask $0x2F20;
	vm2 =	vcmask $0x3F30;
	s4 =	sshrl.u32 s1, $0x1;
	s7 =	sshll.u32 s1, $0x1;
	s6 =	sand.u32 $0x1, s6  }
0x6: {  	v0 =	vmul.u32 $0x5, v10;
	v7 =	vmul.u32 $0xFFFFFFFF, v10;
	s8 =	sand.u32 $0x1, s1;
	v6 =	vmul.u32 $0x4, v10;
	_ =	strace $0x80000047;
	s5 =	sshll.u32 s4, $0x4  }
0x7: {  	v11 =	vsel vm0, $0xBF800000, v9;
	vm0 =	vcmask $0x1B14;
	v12 =	vshrl.u32 v10, $0x2;
	s4 =	sshll.u32 s4, $0xD;
	s7 =	sand.u32 $0x2, s7;
	s9 =	ssub.s32 $0x2, s6  }
0x8: {  	s8 =	smul.u32 $0x30D4, s8;
	v11 =	vsel vm0, $0xBF800000, v11;
	vm0 =	vcmask $0x2B24;
	s4 =	sadd.s32 s4, s3;
	v2 =	vadd.s32 $0x1, v0;
	s7 =	sor.u32 s6, s7  }
0x9: {  	v3 =	vadd.s32 $0x2, v0;
	v4 =	vadd.s32 $0x3, v0;
	v5 =	vadd.s32 $0x4, v0;
	s10 =	sshrl.u32 s9, $0x1;
	s6 =	smul.u32 $0x186A, s6;
	s3 =	sadd.s32 s5, s3  }
0xa: {  	v7 =	vadd.s32 $0x4E2, v7;
	v8 =	vor.u32 $0x1, v6;
	v9 =	vor.u32 $0x2, v6;
	s7 =	sshll.u32 s7, $0xB;
	s31 =	ssub.s32 s9, s10;
	s3 =	sadd.s32 $0x600, s3  }
0xb: {  	v13 =	vsel vm0, $0xBF800000, v11;
	vm0 =	vcmask $0x3B34;
	v11 =	vmul.u32 $0x5, v12;
	s9 =	simm.s32 $0x1;
	s10 =	simm.s32 $0xA280;
	s4 =	sadd.s32 s7, s4  }
0xc: {  	v10 =	vor.u32 $0x3, v6;
	v12 =	vsel vm0, $0xBF800000, v13;
	vm0 =	vcmask $0x1F10;
	s6 =	sadd.s32 s6, s8;
	s5 =	smax.u32 s31, $0x1;
	s7 =	simm.s32 $0x80  }
0xd: {  	s8 =	simm.s32 $0x400;
	v13 =	vadd.s32 $0x14, v11;
	v14 =	vadd.s32 $0x28, v11;
	v15 =	vadd.s32 $0x3C, v11;
	s4 =	sadd.s32 $0x6A00, s4;
	s6 =	sadd.s32 $0xF0, s6  }
.LBB2_1:
0xe: {  	[tilespmem:s2], [sflag:$0x1] =	stream.strided.gather [hbm4b:s3+s7], $0x6280, s8, s7, $0x38;
	[tilespmem:$0xA580] =	vst v63  }
0xf: {  	s14 =	simm.s32 $0x0;
	s15 =	simm.s32 $0x200  }
.LBB2_2:
0x10: {  	p0 =	sne.s32 s15, $0xFE00;
	[tilespmem:s14+$0x62F0] =	vst v1  }
0x11: {  	[tilespmem:s14+$0x6280] =	vst v1  }
0x12: {  	[tilespmem:s14+$0x6290] =	vst v1  }
.Ltmp0:
0x13: {  	[tilespmem:s14+$0x62A0] =	vst v1;
	(pc) =	sbr.rel @p0 .LBB2_2-.Ltmp0, $4  }
0x14: {  	[tilespmem:s14+$0x62B0] =	vst v1  }
0x15: {  	[tilespmem:s14+$0x62C0] =	vst v1  }
0x16: {  	[tilespmem:s14+$0x62D0] =	vst v1  }
0x17: {  	[tilespmem:s14+$0x62E0] =	vst v1;
	s14 =	sshra.s32 s15, $0x2;
	s15 =	sadd.s32 $0x200, s15  }
0x18: {  	[tilespmem:s14+$0x62F0] =	vst v1  }
0x19: {  	[tilespmem:s14+$0x6280] =	vst v1  }
0x1a: {  	[tilespmem:s14+$0x6290] =	vst v1  }
0x1b: {  	[tilespmem:s14+$0x62A0] =	vst v1  }
0x1c: {  	[tilespmem:s14+$0x62B0] =	vst v1  }
0x1d: {  	[tilespmem:s14+$0x62C0] =	vst v1;
	s16 =	sadd.s32 $0xFFFFFFB0, s6  }
0x1e: {  	[tilespmem:s14+$0x62D0] =	vst v1;
	v16 =	vadd.s32 s16, v2  }
0x1f: {  	[tilespmem:s14+$0x62E0] =	vst v1;
	v17 =	vadd.s32 s16, v3  }
0x20: {  	_ =	swait.ge [sflag:s9], $0x6280;
	v18 =	vadd.s32 s16, v4  }
0x21: {  	v19 =	vadd.s32 s16, v5;
	[sflag:s9] =	ssyncset.done $0x0  }
0x22: {  	[sflag:s9] =	ssyncadd.s32 $0xFFFF9D80  }
0x23: {  	v16 =	vld.idx.msk [tilespmem:v16+s2+$0x0], $0xffff  }
0x24: {  	v17 =	vld.idx.msk [tilespmem:v17+s2+$0x0], $0xffff  }
0x25: {  	v18 =	vld.idx.msk [tilespmem:v18+s2+$0x0], $0xffff  }
0x26: {  	v19 =	vld.idx.msk [tilespmem:v19+s2+$0x0], $0xffff;
	_ =	sdelay $0x3  }
0x27: {  	v20 =	vadd.s32 s16, v0;
	v16 =	vmul.f32 $1.280000000e+02, v16;
	v17 =	vmul.f32 $1.280000000e+02, v17  }
0x28: {  	v18 =	vmul.f32 $1.280000000e+02, v18;
	v19 =	vmul.f32 $1.280000000e+02, v19  }
0x29: {  	v16 =	vtrunc.f32 v16;
	v17 =	vtrunc.f32 v17  }
0x2a: {  	s15 =	simm.s32 $0xFFFFFFFD;
	v18 =	vtrunc.f32 v18;
	v19 =	vtrunc.f32 v19  }
0x2b: {  	s29 =	sadd.s32 $0xFFFFFF10, s6;
	s15 =	sand.u32 $0x3, s15;
	v16 =	vcvt.f32.s32 v16;
	v17 =	vcvt.f32.s32 v17  }
0x2c: {  	s17 =	simm.s32 $0x20;
	v21 =	vadd.s32 s29, v2;
	s15 =	smul.u32 $0xA0, s15;
	v22 =	vld.idx.msk [tilespmem:v20+s2+$0x0], $0xffff;
	v18 =	vcvt.f32.s32 v18;
	v19 =	vcvt.f32.s32 v19  }
0x2d: {  	v23 =	vadd.s32 s29, v3;
	v24 =	vadd.s32 s29, v4;
	v25 =	vmov s17  }
0x2e: {  	v26 =	vadd.s32 s15, v6;
	vm3 =	vgt.s32 v18, v16;
	vm4 =	vgt.s32 v19, v17  }
0x2f: {  	vm5 =	vlt.u32 v25, v7;
	v25 =	vadd.s32 s15, v8;
	vm3 =	vmand vm3, vm4  }
0x30: {  	v27 =	vadd.s32 s29, v5;
	v28 =	vadd.s32 s15, v9;
	vm3 =	vmand vm5, vm3  }
0x31: {  	v29 =	vadd.s32 s15, v10;
	v17 =	vshll.u32 v17, $0x7;
	v22 =	vnsel vm3, $0x0, v22  }
0x32: {  	v21 =	vld.idx.msk [tilespmem:v21+s2+$0x0], $0xffff;
	[tilespmem:v20+s2+$0x0] =	vst.idx.msk $0xffff, v22;
	v20 =	vadd.s32 v16, v17  }
0x33: {  	v19 =	vshll.u32 v19, $0x7;
	v17 =	vadd.s32 v18, v17;
	[tilespmem:v26+s10+$0x0] =	vst.idx.msk $0xffff, v20;
	v20 =	vadd.s32 s16, v11  }
0x34: {  	v22 =	vld.idx.msk [tilespmem:v23+s2+$0x0], $0xffff;
	v16 =	vadd.s32 v16, v19;
	[tilespmem:v25+s10+$0x0] =	vst.idx.msk $0xffff, v17  }
0x35: {  	v23 =	vld.idx.msk [tilespmem:v24+s2+$0x0], $0xffff;
	[tilespmem:v28+s10+$0x0] =	vst.idx.msk $0xffff, v16;
	v16 =	vadd.s32 v18, v19  }
0x36: {  	v17 =	vld.idx.msk [tilespmem:v27+s2+$0x0], $0xffff;
	[tilespmem:v29+s10+$0x0] =	vst.idx.msk $0xffff, v16  }
0x37: {  	v18 =	vmul.f32 $1.280000000e+02, v21;
	v16 =	vld [tilespmem:s15+$0xA280]  }
0x38: {  	v19 =	vld.idx.msk [tilespmem:v20+s2+$0x0], $0xffff  }
0x39: {  	v21 =	vmul.f32 $1.280000000e+02, v22;
	v18 =	vtrunc.f32 v18;
	v20 =	vadd.s32 s29, v0  }
0x3a: {  	v22 =	vmul.f32 $1.280000000e+02, v23;
	v18 =	vcvt.f32.s32 v18  }
0x3b: {  	s30 =	simm.s32 $0x0;
	v17 =	vmul.f32 $1.280000000e+02, v17;
	v21 =	vtrunc.f32 v21  }
0x3c: {  	s17 =	sand.u32 $0x2, s30;
	v22 =	vtrunc.f32 v22;
	v21 =	vcvt.f32.s32 v21  }
0x3d: {  	s19 =	smul.u32 $0xA0, s17;
	v17 =	vtrunc.f32 v17;
	v19 =	vmul.f32 v12, v19  }
0x3e: {  	v22 =	vcvt.f32.s32 v22;
	v17 =	vcvt.f32.s32 v17;
	v23 =	vld.idx.msk [tilespmem:v20+s2+$0x0], $0xffff  }
0x3f: {  	s31 =	simm.s32 $0x0;
	v24 =	vor.u32 s19, v6;
	v25 =	vadd.s32 s16, v13;
	[tilespmem:v16+s11+$0x0] =	vst.idx.add.f32.msk $0xf, v19  }
0x40: {  	v26 =	vmov s31;
	vm3 =	vgt.s32 v22, v18;
	vm10 =	vgt.s32 v17, v21;
	[tilespmem:v16+s11+$0x0] =	vst.idx.add.f32.msk vm0, v19  }
0x41: {  	v27 =	vor.u32 s19, v8;
	vm11 =	vlt.u32 v26, v7;
	vm3 =	vmand vm3, vm10;
	[tilespmem:v16+s11+$0x0] =	vst.idx.add.f32.msk vm1, v19  }
0x42: {  	v26 =	vor.u32 s19, v9;
	vm3 =	vmand vm11, vm3;
	[tilespmem:v16+s11+$0x0] =	vst.idx.add.f32.msk vm2, v19  }
0x43: {  	v16 =	vshll.u32 v21, $0x7;
	v19 =	vnsel vm3, $0x0, v23;
	v21 =	vor.u32 s19, v10;
	v23 =	vld [tilespmem:s15+$0xA290]  }
0x44: {  	v28 =	vadd.s32 v18, v16;
	[tilespmem:v20+s2+$0x0] =	vst.idx.msk $0xffff, v19;
	v19 =	vld.idx.msk [tilespmem:v25+s2+$0x0], $0xffff  }
0x45: {  	v17 =	vshll.u32 v17, $0x7;
	v20 =	vadd.s32 s29, v11;
	v16 =	vadd.s32 v22, v16;
	[tilespmem:v24+s10+$0x0] =	vst.idx.msk $0xffff, v28  }
0x46: {  	v18 =	vadd.s32 v18, v17;
	[tilespmem:v27+s10+$0x0] =	vst.idx.msk $0xffff, v16  }
0x47: {  	v16 =	vadd.s32 v22, v17;
	[tilespmem:v26+s10+$0x0] =	vst.idx.msk $0xffff, v18  }
0x48: {  	[tilespmem:v21+s10+$0x0] =	vst.idx.msk $0xffff, v16  }
0x49: {  	v16 =	vld [tilespmem:s19+$0xA280];
	v17 =	vmul.f32 v12, v19  }
0x4a: {  	v18 =	vld.idx.msk [tilespmem:v20+s2+$0x0], $0xffff  }
0x4b: {  	v19 =	vadd.s32 s16, v14;
	[tilespmem:v23+s11+$0x0] =	vst.idx.add.f32.msk $0xf, v17  }
0x4c: {  	[tilespmem:v23+s11+$0x0] =	vst.idx.add.f32.msk vm0, v17  }
0x4d: {  	[tilespmem:v23+s11+$0x0] =	vst.idx.add.f32.msk vm1, v17  }
0x4e: {  	[tilespmem:v23+s11+$0x0] =	vst.idx.add.f32.msk vm2, v17  }
0x4f: {  	v17 =	vmul.f32 v12, v18;
	v18 =	vld [tilespmem:s15+$0xA2A0]  }
0x50: {  	v20 =	vadd.s32 s29, v13;
	v19 =	vld.idx.msk [tilespmem:v19+s2+$0x0], $0xffff  }
0x51: {  	[tilespmem:v16+s11+$0x0] =	vst.idx.add.f32.msk $0xf, v17  }
0x52: {  	[tilespmem:v16+s11+$0x0] =	vst.idx.add.f32.msk vm0, v17  }
0x53: {  	[tilespmem:v16+s11+$0x0] =	vst.idx.add.f32.msk vm1, v17  }
0x54: {  	[tilespmem:v16+s11+$0x0] =	vst.idx.add.f32.msk vm2, v17  }
0x55: {  	v16 =	vld.idx.msk [tilespmem:v20+s2+$0x0], $0xffff;
	v17 =	vmul.f32 v12, v19  }
0x56: {  	v19 =	vld [tilespmem:s19+$0xA290]  }
0x57: {  	v20 =	vadd.s32 s16, v15;
	[tilespmem:v18+s11+$0x0] =	vst.idx.add.f32.msk $0xf, v17  }
0x58: {  	[tilespmem:v18+s11+$0x0] =	vst.idx.add.f32.msk vm0, v17  }
0x59: {  	[tilespmem:v18+s11+$0x0] =	vst.idx.add.f32.msk vm1, v17  }
0x5a: {  	[tilespmem:v18+s11+$0x0] =	vst.idx.add.f32.msk vm2, v17  }
0x5b: {  	v17 =	vld [tilespmem:s15+$0xA2B0]  }
0x5c: {  	v16 =	vmul.f32 v12, v16;
	v18 =	vld.idx.msk [tilespmem:v20+s2+$0x0], $0xffff  }
0x5d: {  	v20 =	vadd.s32 s29, v14  }
0x5e: {  	[tilespmem:v19+s11+$0x0] =	vst.idx.add.f32.msk $0xf, v16  }
0x5f: {  	[tilespmem:v19+s11+$0x0] =	vst.idx.add.f32.msk vm0, v16  }
0x60: {  	[tilespmem:v19+s11+$0x0] =	vst.idx.add.f32.msk vm1, v16  }
0x61: {  	[tilespmem:v19+s11+$0x0] =	vst.idx.add.f32.msk vm2, v16;
	v16 =	vmul.f32 v12, v18  }
0x62: {  	v19 =	vadd.s32 s6, v2;
	v18 =	vld.idx.msk [tilespmem:v20+s2+$0x0], $0xffff  }
0x63: {  	v20 =	vadd.s32 s6, v3;
	[tilespmem:v17+s11+$0x0] =	vst.idx.add.f32.msk $0xf, v16  }
0x64: {  	v21 =	vadd.s32 s6, v4;
	[tilespmem:v17+s11+$0x0] =	vst.idx.add.f32.msk vm0, v16  }
0x65: {  	v22 =	vadd.s32 s6, v5;
	[tilespmem:v17+s11+$0x0] =	vst.idx.add.f32.msk vm1, v16  }
0x66: {  	[tilespmem:v17+s11+$0x0] =	vst.idx.add.f32.msk vm2, v16  }
0x67: {  	v16 =	vld.idx.msk [tilespmem:v19+s2+$0x0], $0xffff  }
0x68: {  	v17 =	vld.idx.msk [tilespmem:v20+s2+$0x0], $0xffff  }
0x69: {  	v19 =	vld.idx.msk [tilespmem:v21+s2+$0x0], $0xffff  }
0x6a: {  	v20 =	vld.idx.msk [tilespmem:v22+s2+$0x0], $0xffff;
	_ =	sdelay $0x2  }
0x6b: {  	v18 =	vmul.f32 v12, v18;
	v21 =	vld [tilespmem:s19+$0xA2A0]  }
0x6c: {  	v22 =	vadd.s32 s6, v0;
	v16 =	vmul.f32 $1.280000000e+02, v16;
	v17 =	vmul.f32 $1.280000000e+02, v17  }
0x6d: {  	v19 =	vmul.f32 $1.280000000e+02, v19;
	v20 =	vmul.f32 $1.280000000e+02, v20  }
0x6e: {  	v16 =	vtrunc.f32 v16;
	v17 =	vtrunc.f32 v17  }
0x6f: {  	v19 =	vtrunc.f32 v19;
	v20 =	vtrunc.f32 v20  }
0x70: {  	v16 =	vcvt.f32.s32 v16;
	v17 =	vcvt.f32.s32 v17  }
0x71: {  	s20 =	sadd.s32 $0x50, s15;
	v23 =	vld.idx.msk [tilespmem:v22+s2+$0x0], $0xffff;
	v19 =	vcvt.f32.s32 v19;
	v20 =	vcvt.f32.s32 v20  }
0x72: {  	s18 =	simm.s32 $0x30;
	v25 =	vadd.s32 s20, v6  }
0x73: {  	v24 =	vmov s18;
	[tilespmem:v21+s11+$0x0] =	vst.idx.add.f32.msk $0xf, v18;
	vm3 =	vgt.s32 v19, v16;
	vm12 =	vgt.s32 v20, v17  }
0x74: {  	vm13 =	vlt.u32 v24, v7;
	v24 =	vadd.s32 s20, v8;
	[tilespmem:v21+s11+$0x0] =	vst.idx.add.f32.msk vm0, v18;
	vm3 =	vmand vm3, vm12  }
0x75: {  	v27 =	vadd.s32 s20, v9;
	v26 =	vadd.s32 s29, v15;
	[tilespmem:v21+s11+$0x0] =	vst.idx.add.f32.msk vm1, v18;
	vm3 =	vmand vm13, vm3  }
0x76: {  	v17 =	vshll.u32 v17, $0x7;
	[tilespmem:v21+s11+$0x0] =	vst.idx.add.f32.msk vm2, v18;
	v21 =	vadd.s32 s20, v10;
	v18 =	vnsel vm3, $0x0, v23  }
0x77: {  	[tilespmem:v22+s2+$0x0] =	vst.idx.msk $0xffff, v18;
	v18 =	vadd.s32 v16, v17  }
0x78: {  	v20 =	vshll.u32 v20, $0x7;
	v17 =	vadd.s32 v19, v17;
	[tilespmem:v25+s10+$0x0] =	vst.idx.msk $0xffff, v18;
	v18 =	vadd.s32 s6, v11  }
0x79: {  	s14 =	sadd.s32 $0x140, s6;
	v16 =	vadd.s32 v16, v20;
	[tilespmem:v24+s10+$0x0] =	vst.idx.msk $0xffff, v17  }
0x7a: {  	s18 =	sadd.s32 $0xFFFFFFB0, s14;
	v17 =	vld [tilespmem:s19+$0xA2B0];
	[tilespmem:v27+s10+$0x0] =	vst.idx.msk $0xffff, v16;
	v16 =	vadd.s32 v19, v20  }
0x7b: {  	v25 =	vadd.s32 s18, v4;
	v19 =	vld.idx.msk [tilespmem:v26+s2+$0x0], $0xffff;
	[tilespmem:v21+s10+$0x0] =	vst.idx.msk $0xffff, v16  }
0x7c: {  	v24 =	vadd.s32 s18, v3;
	v16 =	vld [tilespmem:s15+$0xA2D0]  }
0x7d: {  	v18 =	vld.idx.msk [tilespmem:v18+s2+$0x0], $0xffff;
	_ =	sdelay $0x2  }
0x7e: {  	v25 =	vld.idx.msk [tilespmem:v25+s2+$0x0], $0xffff;
	v19 =	vmul.f32 v12, v19  }
0x7f: {  	v24 =	vld.idx.msk [tilespmem:v24+s2+$0x0], $0xffff  }
0x80: {  	[tilespmem:v17+s11+$0x0] =	vst.idx.add.f32.msk $0xf, v19;
	v18 =	vmul.f32 v12, v18  }
0x81: {  	[tilespmem:v17+s11+$0x0] =	vst.idx.add.f32.msk vm0, v19  }
0x82: {  	v20 =	vadd.s32 s6, v13;
	[tilespmem:v16+s11+$0x0] =	vst.idx.add.f32.msk $0xf, v18  }
0x83: {  	[tilespmem:v16+s11+$0x0] =	vst.idx.add.f32.msk vm0, v18  }
0x84: {  	s20 =	sadd.s32 $0xFFFFFF60, s6;
	[tilespmem:v16+s11+$0x0] =	vst.idx.add.f32.msk vm1, v18  }
0x85: {  	v21 =	vadd.s32 s20, v2;
	[tilespmem:v16+s11+$0x0] =	vst.idx.add.f32.msk vm2, v18  }
0x86: {  	v22 =	vadd.s32 s20, v4;
	v18 =	vld [tilespmem:s15+$0xA2E0]  }
0x87: {  	v23 =	vadd.s32 s20, v5;
	v20 =	vld.idx.msk [tilespmem:v20+s2+$0x0], $0xffff  }
0x88: {  	[tilespmem:v17+s11+$0x0] =	vst.idx.add.f32.msk vm1, v19;
	v16 =	vadd.s32 s20, v3  }
0x89: {  	[tilespmem:v17+s11+$0x0] =	vst.idx.add.f32.msk vm2, v19  }
0x8a: {  	v17 =	vld.idx.msk [tilespmem:v21+s2+$0x0], $0xffff  }
0x8b: {  	v19 =	vld.idx.msk [tilespmem:v22+s2+$0x0], $0xffff  }
0x8c: {  	v21 =	vld.idx.msk [tilespmem:v23+s2+$0x0], $0xffff;
	v20 =	vmul.f32 v12, v20  }
0x8d: {  	v16 =	vld.idx.msk [tilespmem:v16+s2+$0x0], $0xffff  }
0x8e: {  	v22 =	vadd.s32 s6, v14;
	[tilespmem:v18+s11+$0x0] =	vst.idx.add.f32.msk $0xf, v20  }
0x8f: {  	[tilespmem:v18+s11+$0x0] =	vst.idx.add.f32.msk vm0, v20  }
0x90: {  	s21 =	simm.s32 $0x10;
	v26 =	vadd.s32 s18, v5;
	[tilespmem:v18+s11+$0x0] =	vst.idx.add.f32.msk vm1, v20  }
0x91: {  	v29 =	vmov s21;
	s21 =	sadd.s32 $0xFFFFFF10, s14;
	v25 =	vmul.f32 $1.280000000e+02, v25;
	[tilespmem:v18+s11+$0x0] =	vst.idx.add.f32.msk vm2, v20  }
0x92: {  	v30 =	vadd.s32 s21, v2;
	v24 =	vmul.f32 $1.280000000e+02, v24;
	v17 =	vmul.f32 $1.280000000e+02, v17;
	v20 =	vld [tilespmem:s15+$0xA2F0]  }
0x93: {  	v23 =	vadd.s32 s20, v0;
	v19 =	vmul.f32 $1.280000000e+02, v19;
	v21 =	vmul.f32 $1.280000000e+02, v21;
	v22 =	vld.idx.msk [tilespmem:v22+s2+$0x0], $0xffff  }
0x94: {  	v17 =	vtrunc.f32 v17;
	v16 =	vmul.f32 $1.280000000e+02, v16;
	v18 =	vadd.s32 s18, v2  }
0x95: {  	v26 =	vld.idx.msk [tilespmem:v26+s2+$0x0], $0xffff;
	v19 =	vtrunc.f32 v19;
	v21 =	vtrunc.f32 v21  }
0x96: {  	s22 =	sadd.s32 $0x50, s19;
	v17 =	vcvt.f32.s32 v17;
	v16 =	vtrunc.f32 v16  }
0x97: {  	v35 =	vadd.s32 s22, v8;
	v30 =	vld.idx.msk [tilespmem:v30+s2+$0x0], $0xffff;
	v21 =	vcvt.f32.s32 v21;
	v16 =	vcvt.f32.s32 v16  }
0x98: {  	vm3 =	vlt.u32 v29, v7;
	v27 =	vld.idx.msk [tilespmem:v23+s2+$0x0], $0xffff;
	v19 =	vcvt.f32.s32 v19;
	v22 =	vmul.f32 v12, v22  }
0x99: {  	v29 =	vshll.u32 v16, $0x7;
	vm15 =	vgt.s32 v21, v16;
	v16 =	vadd.s32 s6, v15;
	v18 =	vld.idx.msk [tilespmem:v18+s2+$0x0], $0xffff  }
0x9a: {  	v36 =	vadd.s32 s22, v9;
	v26 =	vmul.f32 $1.280000000e+02, v26;
	vm14 =	vgt.s32 v19, v17;
	[tilespmem:v20+s11+$0x0] =	vst.idx.add.f32.msk $0xf, v22  }
0x9b: {  	v25 =	vtrunc.f32 v25;
	v24 =	vtrunc.f32 v24;
	vm4 =	vmand vm14, vm15;
	[tilespmem:v20+s11+$0x0] =	vst.idx.add.f32.msk vm0, v22  }
0x9c: {  	s23 =	sadd.s32 $0x80, s15;
	v21 =	vshll.u32 v21, $0x7;
	v31 =	vadd.s32 v17, v29;
	vm3 =	vmand vm3, vm4;
	[tilespmem:v20+s11+$0x0] =	vst.idx.add.f32.msk vm1, v22  }
0x9d: {  	s17 =	sand.u32 $0x380, s23;
	s15 =	sand.u32 $0x60, s15;
	v32 =	vadd.s32 v17, v21;
	v17 =	vnsel vm3, $0x0, v27;
	v27 =	vadd.s32 s21, v3;
	[tilespmem:v20+s11+$0x0] =	vst.idx.add.f32.msk vm2, v22  }
0x9e: {  	s15 =	sor.u32 s15, s17;
	v29 =	vadd.s32 v19, v29;
	v20 =	vadd.s32 s22, v6;
	v22 =	vadd.s32 s18, v0;
	v33 =	vld.idx.msk [tilespmem:v16+s2+$0x0], $0xffff  }
0x9f: {  	v19 =	vadd.s32 v19, v21;
	v21 =	vadd.s32 s21, v4;
	v18 =	vmul.f32 $1.280000000e+02, v18;
	v16 =	vld [tilespmem:s15+$0xA280]  }
0xa0: {  	v34 =	vadd.s32 s21, v5;
	v26 =	vtrunc.f32 v26;
	v24 =	vcvt.f32.s32 v24  }
0xa1: {  	s24 =	simm.s32 $0xFFFFFFFF;
	v37 =	vadd.s32 s22, v10;
	v26 =	vcvt.f32.s32 v26;
	v18 =	vtrunc.f32 v18  }
0xa2: {  	v25 =	vcvt.f32.s32 v25;
	[tilespmem:v23+s2+$0x0] =	vst.idx.msk $0xffff, v17;
	v27 =	vld.idx.msk [tilespmem:v27+s2+$0x0], $0xffff;
	v18 =	vcvt.f32.s32 v18;
	s15 =	sand.u32 $0x3, s24  }
0xa3: {  	v30 =	vmul.f32 $1.280000000e+02, v30;
	vm8 =	vgt.s32 v26, v24;
	s16 =	smul.u32 $0xA0, s15;
	v38 =	vld.idx.msk [tilespmem:v22+s2+$0x0], $0xffff;
	[tilespmem:v20+s10+$0x0] =	vst.idx.msk $0xffff, v31  }
0xa4: {  	s25 =	simm.s32 $0x60;
	v28 =	vadd.s32 s20, v11;
	v24 =	vshll.u32 v24, $0x7;
	v21 =	vld.idx.msk [tilespmem:v21+s2+$0x0], $0xffff;
	vm3 =	vgt.s32 v25, v18;
	[tilespmem:v35+s10+$0x0] =	vst.idx.msk $0xffff, v29  }
0xa5: {  	v20 =	vld.idx.msk [tilespmem:v34+s2+$0x0], $0xffff;
	v31 =	vmov s25;
	v17 =	vmul.f32 v12, v33;
	v29 =	vadd.s32 s16, v6;
	[tilespmem:v36+s10+$0x0] =	vst.idx.msk $0xffff, v32  }
0xa6: {  	vm3 =	vmand vm3, vm8;
	vm9 =	vlt.u32 v31, v7;
	v31 =	vadd.s32 s16, v8;
	[tilespmem:v37+s10+$0x0] =	vst.idx.msk $0xffff, v19  }
0xa7: {  	vm3 =	vmand vm9, vm3;
	v19 =	vmul.f32 $1.280000000e+02, v27;
	v27 =	vadd.s32 s16, v9;
	[tilespmem:v16+s11+$0x0] =	vst.idx.add.f32.msk $0xf, v17  }
0xa8: {  	v23 =	vadd.s32 s21, v0;
	v62 =	vadd.s32 s16, v10;
	v61 =	vnsel vm3, $0x0, v38;
	[tilespmem:v16+s11+$0x0] =	vst.idx.add.f32.msk vm0, v17  }
0xa9: {  	v26 =	vshll.u32 v26, $0x7;
	v21 =	vmul.f32 $1.280000000e+02, v21;
	v63 =	vld [tilespmem:s19+$0xA2D0];
	[tilespmem:v22+s2+$0x0] =	vst.idx.msk $0xffff, v61;
	v22 =	vadd.s32 v18, v24  }
0xaa: {  	v28 =	vld.idx.msk [tilespmem:v28+s2+$0x0], $0xffff;
	v20 =	vmul.f32 $1.280000000e+02, v20;
	[tilespmem:v29+s10+$0x0] =	vst.idx.msk $0xffff, v22;
	v22 =	vadd.s32 v25, v24;
	v24 =	vadd.s32 s18, v11  }
0xab: {  	s17 =	simm.s32 $0x2;
	v21 =	vtrunc.f32 v21;
	v19 =	vtrunc.f32 v19;
	v18 =	vadd.s32 v18, v26;
	[tilespmem:v31+s10+$0x0] =	vst.idx.msk $0xffff, v22  }
0xac: {  	s26 =	sand.u32 $0x2, s17;
	v19 =	vcvt.f32.s32 v19;
	v20 =	vtrunc.f32 v20;
	[tilespmem:v27+s10+$0x0] =	vst.idx.msk $0xffff, v18;
	v18 =	vadd.s32 v25, v26  }
0xad: {  	s15 =	smul.u32 $0xA0, s26;
	v29 =	vtrunc.f32 v30;
	v22 =	vld.idx.msk [tilespmem:v23+s2+$0x0], $0xffff;
	v20 =	vcvt.f32.s32 v20;
	[tilespmem:v62+s10+$0x0] =	vst.idx.msk $0xffff, v18  }
0xae: {  	v25 =	vcvt.f32.s32 v29;
	v18 =	vcvt.f32.s32 v21;
	v21 =	vld [tilespmem:s16+$0xA280]  }
0xaf: {  	s22 =	simm.s32 $0x40;
	v26 =	vor.u32 s15, v6;
	v27 =	vmul.f32 v12, v28;
	v24 =	vld.idx.msk [tilespmem:v24+s2+$0x0], $0xffff  }
0xb0: {  	[tilespmem:v16+s11+$0x0] =	vst.idx.add.f32.msk vm1, v17;
	v28 =	vmov s22;
	vm10 =	vgt.s32 v20, v19;
	vm3 =	vgt.s32 v18, v25  }
0xb1: {  	vm11 =	vlt.u32 v28, v7;
	[tilespmem:v63+s11+$0x0] =	vst.idx.add.f32.msk $0xf, v27;
	vm3 =	vmand vm3, vm10  }
0xb2: {  	[tilespmem:v63+s11+$0x0] =	vst.idx.add.f32.msk vm0, v27;
	vm3 =	vmand vm11, vm3  }
0xb3: {  	v19 =	vshll.u32 v19, $0x7;
	[tilespmem:v63+s11+$0x0] =	vst.idx.add.f32.msk vm1, v27;
	v22 =	vnsel vm3, $0x0, v22  }
0xb4: {  	v28 =	vadd.s32 v25, v19;
	[tilespmem:v23+s2+$0x0] =	vst.idx.msk $0xffff, v22;
	v22 =	vmul.f32 v12, v24  }
0xb5: {  	v23 =	vor.u32 s15, v8;
	[tilespmem:v26+s10+$0x0] =	vst.idx.msk $0xffff, v28  }
0xb6: {  	v26 =	vadd.s32 s18, v13;
	[tilespmem:v21+s11+$0x0] =	vst.idx.add.f32.msk $0xf, v22  }
0xb7: {  	[tilespmem:v21+s11+$0x0] =	vst.idx.add.f32.msk vm0, v22  }
0xb8: {  	v24 =	vor.u32 s15, v9;
	[tilespmem:v21+s11+$0x0] =	vst.idx.add.f32.msk vm1, v22  }
0xb9: {  	v19 =	vadd.s32 v18, v19;
	v28 =	vor.u32 s15, v10;
	[tilespmem:v21+s11+$0x0] =	vst.idx.add.f32.msk vm2, v22  }
0xba: {  	v29 =	vadd.s32 s21, v11;
	v20 =	vshll.u32 v20, $0x7;
	[tilespmem:v23+s10+$0x0] =	vst.idx.msk $0xffff, v19;
	v19 =	vld [tilespmem:s16+$0xA290]  }
0xbb: {  	v18 =	vadd.s32 v18, v20;
	v21 =	vadd.s32 v25, v20;
	v20 =	vld.idx.msk [tilespmem:v26+s2+$0x0], $0xffff  }
0xbc: {  	[tilespmem:v63+s11+$0x0] =	vst.idx.add.f32.msk vm2, v27;
	v22 =	vadd.s32 s20, v13  }
0xbd: {  	[tilespmem:v24+s10+$0x0] =	vst.idx.msk $0xffff, v21  }
0xbe: {  	v23 =	vld [tilespmem:s19+$0xA2E0];
	[tilespmem:v28+s10+$0x0] =	vst.idx.msk $0xffff, v18  }
0xbf: {  	v18 =	vld.idx.msk [tilespmem:v29+s2+$0x0], $0xffff  }
0xc0: {  	v21 =	vld [tilespmem:s15+$0xA280];
	v20 =	vmul.f32 v12, v20  }
0xc1: {  	v22 =	vld.idx.msk [tilespmem:v22+s2+$0x0], $0xffff  }
0xc2: {  	v24 =	vadd.s32 s18, v14;
	[tilespmem:v19+s11+$0x0] =	vst.idx.add.f32.msk $0xf, v20  }
0xc3: {  	[tilespmem:v19+s11+$0x0] =	vst.idx.add.f32.msk vm0, v20  }
0xc4: {  	[tilespmem:v19+s11+$0x0] =	vst.idx.add.f32.msk vm1, v20  }
0xc5: {  	[tilespmem:v19+s11+$0x0] =	vst.idx.add.f32.msk vm2, v20  }
0xc6: {  	v18 =	vmul.f32 v12, v18;
	v19 =	vld [tilespmem:s16+$0xA2A0]  }
0xc7: {  	v20 =	vld.idx.msk [tilespmem:v24+s2+$0x0], $0xffff  }
0xc8: {  	[tilespmem:v21+s11+$0x0] =	vst.idx.add.f32.msk $0xf, v18;
	v24 =	vadd.s32 s21, v13  }
0xc9: {  	[tilespmem:v21+s11+$0x0] =	vst.idx.add.f32.msk vm0, v18  }
0xca: {  	[tilespmem:v21+s11+$0x0] =	vst.idx.add.f32.msk vm1, v18  }
0xcb: {  	[tilespmem:v21+s11+$0x0] =	vst.idx.add.f32.msk vm2, v18  }
0xcc: {  	v18 =	vld [tilespmem:s15+$0xA290];
	v20 =	vmul.f32 v12, v20  }
0xcd: {  	v21 =	vld.idx.msk [tilespmem:v24+s2+$0x0], $0xffff  }
0xce: {  	v24 =	vadd.s32 s18, v15;
	[tilespmem:v19+s11+$0x0] =	vst.idx.add.f32.msk $0xf, v20  }
0xcf: {  	[tilespmem:v19+s11+$0x0] =	vst.idx.add.f32.msk vm0, v20  }
0xd0: {  	[tilespmem:v19+s11+$0x0] =	vst.idx.add.f32.msk vm1, v20  }
0xd1: {  	[tilespmem:v19+s11+$0x0] =	vst.idx.add.f32.msk vm2, v20  }
0xd2: {  	v19 =	vmul.f32 v12, v21;
	v20 =	vld [tilespmem:s16+$0xA2B0]  }
0xd3: {  	v21 =	vadd.s32 s21, v14;
	v24 =	vld.idx.msk [tilespmem:v24+s2+$0x0], $0xffff  }
0xd4: {  	[tilespmem:v18+s11+$0x0] =	vst.idx.add.f32.msk $0xf, v19  }
0xd5: {  	[tilespmem:v18+s11+$0x0] =	vst.idx.add.f32.msk vm0, v19  }
0xd6: {  	[tilespmem:v18+s11+$0x0] =	vst.idx.add.f32.msk vm1, v19  }
0xd7: {  	[tilespmem:v18+s11+$0x0] =	vst.idx.add.f32.msk vm2, v19  }
0xd8: {  	v18 =	vld.idx.msk [tilespmem:v21+s2+$0x0], $0xffff;
	v19 =	vmul.f32 v12, v24  }
0xd9: {  	v21 =	vld [tilespmem:s15+$0xA2A0];
	v24 =	vadd.s32 s14, v2  }
0xda: {  	v25 =	vadd.s32 s14, v3;
	[tilespmem:v20+s11+$0x0] =	vst.idx.add.f32.msk $0xf, v19  }
0xdb: {  	v26 =	vadd.s32 s14, v4;
	[tilespmem:v20+s11+$0x0] =	vst.idx.add.f32.msk vm0, v19  }
0xdc: {  	v27 =	vadd.s32 s14, v5;
	[tilespmem:v20+s11+$0x0] =	vst.idx.add.f32.msk vm1, v19  }
0xdd: {  	[tilespmem:v20+s11+$0x0] =	vst.idx.add.f32.msk vm2, v19  }
0xde: {  	v19 =	vld.idx.msk [tilespmem:v24+s2+$0x0], $0xffff  }
0xdf: {  	v20 =	vld.idx.msk [tilespmem:v25+s2+$0x0], $0xffff  }
0xe0: {  	v18 =	vmul.f32 v12, v18;
	v24 =	vld.idx.msk [tilespmem:v26+s2+$0x0], $0xffff  }
0xe1: {  	v25 =	vadd.s32 s21, v15;
	v26 =	vld.idx.msk [tilespmem:v27+s2+$0x0], $0xffff  }
0xe2: {  	[tilespmem:v21+s11+$0x0] =	vst.idx.add.f32.msk $0xf, v18  }
0xe3: {  	[tilespmem:v21+s11+$0x0] =	vst.idx.add.f32.msk vm0, v18  }
0xe4: {  	[tilespmem:v21+s11+$0x0] =	vst.idx.add.f32.msk vm1, v18  }
0xe5: {  	v22 =	vmul.f32 v12, v22;
	[tilespmem:v21+s11+$0x0] =	vst.idx.add.f32.msk vm2, v18  }
0xe6: {  	v18 =	vadd.s32 s14, v0;
	v21 =	vld.idx.msk [tilespmem:v25+s2+$0x0], $0xffff;
	v19 =	vmul.f32 $1.280000000e+02, v19;
	v20 =	vmul.f32 $1.280000000e+02, v20  }
0xe7: {  	v25 =	vld [tilespmem:s15+$0xA2B0];
	v24 =	vmul.f32 $1.280000000e+02, v24;
	v26 =	vmul.f32 $1.280000000e+02, v26  }
0xe8: {  	[tilespmem:v16+s11+$0x0] =	vst.idx.add.f32.msk vm2, v17;
	v19 =	vtrunc.f32 v19;
	v20 =	vtrunc.f32 v20  }
0xe9: {  	[tilespmem:v23+s11+$0x0] =	vst.idx.add.f32.msk $0xf, v22;
	v16 =	vtrunc.f32 v24;
	v17 =	vtrunc.f32 v26  }
0xea: {  	[tilespmem:v23+s11+$0x0] =	vst.idx.add.f32.msk vm0, v22;
	v19 =	vcvt.f32.s32 v19;
	v20 =	vcvt.f32.s32 v20  }
0xeb: {  	s18 =	simm.s32 $0x70;
	v16 =	vcvt.f32.s32 v16;
	v17 =	vcvt.f32.s32 v17;
	v24 =	vld.idx.msk [tilespmem:v18+s2+$0x0], $0xffff  }
0xec: {  	[tilespmem:v23+s11+$0x0] =	vst.idx.add.f32.msk vm1, v22;
	v26 =	vmov s18  }
0xed: {  	s28 =	sadd.s32 $0x50, s16;
	v21 =	vmul.f32 v12, v21;
	vm3 =	vgt.s32 v16, v19;
	vm12 =	vgt.s32 v17, v20  }
0xee: {  	[tilespmem:v23+s11+$0x0] =	vst.idx.add.f32.msk vm2, v22;
	v27 =	vadd.s32 s28, v6;
	vm13 =	vlt.u32 v26, v7;
	vm3 =	vmand vm3, vm12  }
0xef: {  	vm3 =	vmand vm13, vm3;
	[tilespmem:v25+s11+$0x0] =	vst.idx.add.f32.msk $0xf, v21  }
0xf0: {  	v22 =	vadd.s32 s28, v8;
	[tilespmem:v25+s11+$0x0] =	vst.idx.add.f32.msk vm0, v21;
	v24 =	vnsel vm3, $0x0, v24  }
0xf1: {  	v23 =	vadd.s32 s20, v14;
	v26 =	vadd.s32 s28, v9;
	v20 =	vshll.u32 v20, $0x7;
	[tilespmem:v18+s2+$0x0] =	vst.idx.msk $0xffff, v24  }
0xf2: {  	v28 =	vadd.s32 s28, v10;
	v18 =	vadd.s32 v19, v20;
	[tilespmem:v25+s11+$0x0] =	vst.idx.add.f32.msk vm1, v21  }
0xf3: {  	[tilespmem:v27+s10+$0x0] =	vst.idx.msk $0xffff, v18  }
0xf4: {  	s29 =	sadd.s32 $0xFFFFFF60, s14;
	v17 =	vshll.u32 v17, $0x7;
	v18 =	vadd.s32 v16, v20;
	v20 =	vadd.s32 s14, v11;
	[tilespmem:v25+s11+$0x0] =	vst.idx.add.f32.msk vm2, v21  }
0xf5: {  	v16 =	vadd.s32 v16, v17;
	[tilespmem:v22+s10+$0x0] =	vst.idx.msk $0xffff, v18;
	v18 =	vadd.s32 v19, v17;
	v17 =	vadd.s32 s29, v2  }
0xf6: {  	v19 =	vld.idx.msk [tilespmem:v23+s2+$0x0], $0xffff;
	v23 =	vadd.s32 s29, v4;
	[tilespmem:v26+s10+$0x0] =	vst.idx.msk $0xffff, v18  }
0xf7: {  	v22 =	vld [tilespmem:s19+$0xA2F0];
	v26 =	vadd.s32 s29, v5;
	[tilespmem:v28+s10+$0x0] =	vst.idx.msk $0xffff, v16  }
0xf8: {  	v16 =	vadd.s32 s29, v3;
	v18 =	vld [tilespmem:s16+$0xA2D0]  }
0xf9: {  	v24 =	vld.idx.msk [tilespmem:v20+s2+$0x0], $0xffff  }
0xfa: {  	v17 =	vld.idx.msk [tilespmem:v17+s2+$0x0], $0xffff  }
0xfb: {  	v21 =	vld.idx.msk [tilespmem:v23+s2+$0x0], $0xffff  }
0xfc: {  	v25 =	vld.idx.msk [tilespmem:v26+s2+$0x0], $0xffff  }
0xfd: {  	v26 =	vmul.f32 v12, v19;
	v16 =	vld.idx.msk [tilespmem:v16+s2+$0x0], $0xffff  }
0xfe: {  	v23 =	vmul.f32 v12, v24  }
0xff: {  	[tilespmem:v22+s11+$0x0] =	vst.idx.add.f32.msk $0xf, v26  }
0x100: {  	v24 =	vadd.s32 s14, v13;
	[tilespmem:v18+s11+$0x0] =	vst.idx.add.f32.msk $0xf, v23  }
0x101: {  	v20 =	vadd.s32 s29, v0;
	v17 =	vmul.f32 $1.280000000e+02, v17;
	v21 =	vmul.f32 $1.280000000e+02, v21;
	[tilespmem:v18+s11+$0x0] =	vst.idx.add.f32.msk vm0, v23  }
0x102: {  	v25 =	vmul.f32 $1.280000000e+02, v25;
	v16 =	vmul.f32 $1.280000000e+02, v16;
	[tilespmem:v18+s11+$0x0] =	vst.idx.add.f32.msk vm1, v23  }
0x103: {  	v17 =	vtrunc.f32 v17;
	v21 =	vtrunc.f32 v21;
	[tilespmem:v18+s11+$0x0] =	vst.idx.add.f32.msk vm2, v23  }
0x104: {  	s31 =	sadd.s32 $0x80, s19;
	v30 =	vcvt.f32.s32 v17;
	v16 =	vtrunc.f32 v16;
	v23 =	vld [tilespmem:s16+$0xA2E0]  }
0x105: {  	v27 =	vadd.s32 s20, v15;
	s20 =	sand.u32 $0x380, s31;
	s19 =	sand.u32 $0x40, s19;
	v29 =	vld.idx.msk [tilespmem:v24+s2+$0x0], $0xffff;
	v24 =	vcvt.f32.s32 v16;
	v16 =	vtrunc.f32 v25  }
0x106: {  	s19 =	sor.u32 s19, s20;
	s20 =	sadd.s32 $0x50, s15;
	v28 =	vld.idx.msk [tilespmem:v20+s2+$0x0], $0xffff;
	v31 =	vcvt.f32.s32 v21;
	v21 =	vcvt.f32.s32 v16  }
0x107: {  	s30 =	simm.s32 $0x50;
	v33 =	vadd.s32 s20, v9;
	[tilespmem:v22+s11+$0x0] =	vst.idx.add.f32.msk vm0, v26  }
0x108: {  	[tilespmem:v22+s11+$0x0] =	vst.idx.add.f32.msk vm1, v26;
	v25 =	vmov s30;
	vm14 =	vgt.s32 v31, v30;
	vm15 =	vgt.s32 v21, v24  }
0x109: {  	[tilespmem:v22+s11+$0x0] =	vst.idx.add.f32.msk vm2, v26;
	vm3 =	vlt.u32 v25, v7;
	v25 =	vshll.u32 v24, $0x7;
	vm4 =	vmand vm14, vm15  }
0x10a: {  	v24 =	vld.idx.msk [tilespmem:v27+s2+$0x0], $0xffff;
	v27 =	vmul.f32 v12, v29;
	v29 =	vshll.u32 v21, $0x7;
	vm3 =	vmand vm3, vm4  }
0x10b: {  	v26 =	vadd.s32 v30, v25;
	v21 =	vld [tilespmem:s19+$0xA280];
	v22 =	vadd.s32 v30, v29;
	v32 =	vnsel vm3, $0x0, v28  }
0x10c: {  	v28 =	vadd.s32 v31, v29;
	v30 =	vadd.s32 s20, v6;
	v29 =	vadd.s32 s14, v14;
	[tilespmem:v23+s11+$0x0] =	vst.idx.add.f32.msk $0xf, v27  }
0x10d: {  	v19 =	vadd.s32 s29, v11;
	v25 =	vadd.s32 v31, v25;
	v31 =	vadd.s32 s20, v8;
	[tilespmem:v23+s11+$0x0] =	vst.idx.add.f32.msk vm0, v27  }
0x10e: {  	v17 =	vadd.s32 s29, v14;
	v18 =	vadd.s32 s29, v13;
	v16 =	vadd.s32 s29, v15;
	s19 =	sadd.s32 $0x140, s14;
	[tilespmem:v23+s11+$0x0] =	vst.idx.add.f32.msk vm1, v27  }
.LBB2_4:
0x10f: {  	s23 =	sadd.s32 $0xFFFFFF10, s19;
	s24 =	sadd.s32 $0xFFFFFF60, s19;
	s21 =	sadd.s32 $0xFFFFFFB0, s19;
	v35 =	vadd.s32 s20, v10;
	[tilespmem:v23+s11+$0x0] =	vst.idx.add.f32.msk vm2, v27;
	v27 =	vmul.f32 v12, v24  }
0x110: {  	s22 =	smov.u32 s17;
	v36 =	vadd.s32 s23, v2;
	v37 =	vadd.s32 s23, v3;
	v38 =	vadd.s32 s21, v2;
	[tilespmem:v20+s2+$0x0] =	vst.idx.msk $0xffff, v32;
	v39 =	vld [tilespmem:s16+$0xA2F0]  }
0x111: {  	v40 =	vadd.s32 s23, v4;
	v41 =	vadd.s32 s23, v5;
	v42 =	vadd.s32 s21, v3;
	[tilespmem:v30+s10+$0x0] =	vst.idx.msk $0xffff, v26;
	v43 =	vld.idx.msk [tilespmem:v29+s2+$0x0], $0xffff  }
0x112: {  	v34 =	vadd.s32 s23, v0;
	v32 =	vadd.s32 s23, v11;
	v44 =	vadd.s32 s21, v4;
	[tilespmem:v31+s10+$0x0] =	vst.idx.msk $0xffff, v25  }
0x113: {  	v45 =	vadd.s32 s21, v5;
	v30 =	vadd.s32 s23, v14;
	v31 =	vadd.s32 s23, v13;
	[tilespmem:v33+s10+$0x0] =	vst.idx.msk $0xffff, v22  }
0x114: {  	v24 =	vadd.s32 s24, v2;
	v23 =	vadd.s32 s24, v3;
	v29 =	vadd.s32 s23, v15;
	[tilespmem:v35+s10+$0x0] =	vst.idx.msk $0xffff, v28  }
0x115: {  	v20 =	vadd.s32 s24, v0;
	v26 =	vadd.s32 s24, v4;
	v25 =	vadd.s32 s24, v5;
	v35 =	vld.idx.msk [tilespmem:v38+s2+$0x0], $0xffff  }
0x116: {  	v33 =	vadd.s32 s24, v13;
	v28 =	vadd.s32 s24, v14;
	v38 =	vadd.s32 s24, v11;
	v42 =	vld.idx.msk [tilespmem:v42+s2+$0x0], $0xffff  }
0x117: {  	v22 =	vadd.s32 s24, v15;
	v43 =	vmul.f32 v12, v43;
	v44 =	vld.idx.msk [tilespmem:v44+s2+$0x0], $0xffff  }
0x118: {  	v45 =	vld.idx.msk [tilespmem:v45+s2+$0x0], $0xffff  }
0x119: {  	v46 =	vadd.s32 s14, v15;
	s14 =	smov.u32 s19;
	[tilespmem:v39+s11+$0x0] =	vst.idx.add.f32.msk $0xf, v43  }
0x11a: {  	s20 =	sadd.s32 $0x80, s16;
	[tilespmem:v39+s11+$0x0] =	vst.idx.add.f32.msk vm0, v43  }
0x11b: {  	s20 =	sand.u32 $0x380, s20;
	s16 =	sand.u32 $0x60, s16;
	[tilespmem:v39+s11+$0x0] =	vst.idx.add.f32.msk vm1, v43  }
0x11c: {  	s16 =	sor.u32 s16, s20;
	[tilespmem:v39+s11+$0x0] =	vst.idx.add.f32.msk vm2, v43  }
0x11d: {  	v39 =	vld [tilespmem:s16+$0xA280]  }
0x11e: {  	v35 =	vmul.f32 $1.280000000e+02, v35;
	v43 =	vadd.s32 s21, v0;
	v46 =	vld.idx.msk [tilespmem:v46+s2+$0x0], $0xffff  }
0x11f: {  	s17 =	sadd.s32 $0x2, s17;
	v42 =	vmul.f32 $1.280000000e+02, v42;
	v44 =	vmul.f32 $1.280000000e+02, v44;
	v36 =	vld.idx.msk [tilespmem:v36+s2+$0x0], $0xffff  }
0x120: {  	p0 =	slt.u32 s17, $0x26;
	v35 =	vtrunc.f32 v35;
	s16 =	sand.u32 $0x2, s17;
	v45 =	vmul.f32 $1.280000000e+02, v45;
	v37 =	vld.idx.msk [tilespmem:v37+s2+$0x0], $0xffff  }
0x121: {  	v42 =	vtrunc.f32 v42;
	s20 =	smul.u32 $0xA0, s16;
	v44 =	vtrunc.f32 v44;
	v40 =	vld.idx.msk [tilespmem:v40+s2+$0x0], $0xffff  }
0x122: {  	v35 =	vcvt.f32.s32 v35;
	s16 =	sadd.s32 $0xFFFFFFFF, s22;
	v45 =	vtrunc.f32 v45;
	v41 =	vld.idx.msk [tilespmem:v41+s2+$0x0], $0xffff  }
0x123: {  	s18 =	sadd.s32 $0x40, s18;
	v42 =	vcvt.f32.s32 v42;
	s16 =	sand.u32 $0x3, s16;
	v44 =	vcvt.f32.s32 v44;
	v47 =	vor.u32 s20, v6;
	v48 =	vld.idx.msk [tilespmem:v43+s2+$0x0], $0xffff  }
0x124: {  	s23 =	sadd.s32 $0xFFFFFFF0, s18;
	s22 =	sadd.s32 $0xFFFFFFD0, s18;
	v50 =	vor.u32 s20, v8;
	s16 =	smul.u32 $0xA0, s16;
	v45 =	vcvt.f32.s32 v45;
	v46 =	vmul.f32 v12, v46;
	v49 =	vld.idx.msk [tilespmem:v34+s2+$0x0], $0xffff  }
0x125: {  	v52 =	vmov s23;
	v51 =	vmov s22;
	s22 =	sadd.s32 $0xFFFFFFE0, s18;
	v36 =	vmul.f32 $1.280000000e+02, v36;
	v53 =	vld.idx.msk [tilespmem:v19+s2+$0x0], $0xffff;
	v19 =	vmovc v38  }
0x126: {  	vm3 =	vgt.s32 v44, v35;
	vm4 =	vgt.s32 v45, v42;
	v38 =	vadd.s32 s16, v6;
	[tilespmem:v39+s11+$0x0] =	vst.idx.add.f32.msk $0xf, v46  }
0x127: {  	vm5 =	vlt.u32 v52, v7;
	v52 =	vadd.s32 s16, v8;
	vm3 =	vmand vm3, vm4;
	[tilespmem:v39+s11+$0x0] =	vst.idx.add.f32.msk vm0, v46  }
0x128: {  	v54 =	vadd.s32 s16, v9;
	vm3 =	vmand vm5, vm3;
	v37 =	vmul.f32 $1.280000000e+02, v37;
	[tilespmem:v39+s11+$0x0] =	vst.idx.add.f32.msk vm1, v46  }
0x129: {  	v42 =	vshll.u32 v42, $0x7;
	v55 =	vadd.s32 s16, v10;
	v48 =	vnsel vm3, $0x0, v48;
	[tilespmem:v39+s11+$0x0] =	vst.idx.add.f32.msk vm2, v46  }
0x12a: {  	v39 =	vmul.f32 $1.280000000e+02, v40;
	v40 =	vmul.f32 $1.280000000e+02, v41;
	v41 =	vadd.s32 v35, v42;
	[tilespmem:v43+s2+$0x0] =	vst.idx.msk $0xffff, v48;
	v43 =	vld [tilespmem:s15+$0xA2D0]  }
0x12b: {  	v45 =	vshll.u32 v45, $0x7;
	[tilespmem:v38+s10+$0x0] =	vst.idx.msk $0xffff, v41;
	v38 =	vadd.s32 v44, v42;
	v41 =	vadd.s32 s21, v11  }
0x12c: {  	v36 =	vtrunc.f32 v36;
	v37 =	vtrunc.f32 v37;
	v35 =	vadd.s32 v35, v45;
	[tilespmem:v52+s10+$0x0] =	vst.idx.msk $0xffff, v38  }
0x12d: {  	v38 =	vtrunc.f32 v39;
	v39 =	vtrunc.f32 v40;
	[tilespmem:v54+s10+$0x0] =	vst.idx.msk $0xffff, v35;
	v35 =	vadd.s32 v44, v45  }
0x12e: {  	vm4 =	vlt.u32 v51, v7;
	v36 =	vcvt.f32.s32 v36;
	v37 =	vcvt.f32.s32 v37;
	[tilespmem:v55+s10+$0x0] =	vst.idx.msk $0xffff, v35  }
0x12f: {  	v35 =	vcvt.f32.s32 v38;
	v38 =	vcvt.f32.s32 v39;
	v39 =	vmov s22;
	v40 =	vld [tilespmem:s16+$0xA280]  }
0x130: {  	v42 =	vshll.u32 v37, $0x7;
	vm3 =	vlt.u32 v39, v7;
	v39 =	vld.idx.msk [tilespmem:v41+s2+$0x0], $0xffff;
	v41 =	vmul.f32 v12, v53  }
0x131: {  	vm5 =	vgt.s32 v35, v36;
	vm6 =	vgt.s32 v38, v37;
	v37 =	vshll.u32 v38, $0x7;
	[tilespmem:v21+s11+$0x0] =	vst.idx.add.f32.msk $0xf, v27  }
0x132: {  	v38 =	vadd.s32 v36, v42;
	v42 =	vadd.s32 v35, v42;
	vm5 =	vmand vm5, vm6;
	[tilespmem:v43+s11+$0x0] =	vst.idx.add.f32.msk $0xf, v41  }
0x133: {  	v36 =	vadd.s32 v36, v37;
	v35 =	vadd.s32 v35, v37;
	vm4 =	vmand vm4, vm5;
	[tilespmem:v43+s11+$0x0] =	vst.idx.add.f32.msk vm0, v41  }
0x134: {  	v37 =	vnsel vm4, $0x0, v49;
	[tilespmem:v43+s11+$0x0] =	vst.idx.add.f32.msk vm1, v41  }
0x135: {  	[tilespmem:v34+s2+$0x0] =	vst.idx.msk $0xffff, v37  }
0x136: {  	v34 =	vmul.f32 v12, v39;
	[tilespmem:v47+s10+$0x0] =	vst.idx.msk $0xffff, v38  }
0x137: {  	v37 =	vor.u32 s20, v9;
	[tilespmem:v50+s10+$0x0] =	vst.idx.msk $0xffff, v42  }
0x138: {  	v39 =	vadd.s32 s21, v13;
	v38 =	vor.u32 s20, v10;
	[tilespmem:v40+s11+$0x0] =	vst.idx.add.f32.msk $0xf, v34  }
0x139: {  	[tilespmem:v40+s11+$0x0] =	vst.idx.add.f32.msk vm0, v34  }
0x13a: {  	[tilespmem:v40+s11+$0x0] =	vst.idx.add.f32.msk vm1, v34  }
0x13b: {  	[tilespmem:v40+s11+$0x0] =	vst.idx.add.f32.msk vm2, v34  }
0x13c: {  	[tilespmem:v37+s10+$0x0] =	vst.idx.msk $0xffff, v36;
	v34 =	vld [tilespmem:s16+$0xA290]  }
0x13d: {  	[tilespmem:v38+s10+$0x0] =	vst.idx.msk $0xffff, v35;
	v35 =	vld.idx.msk [tilespmem:v39+s2+$0x0], $0xffff  }
0x13e: {  	v32 =	vld.idx.msk [tilespmem:v32+s2+$0x0], $0xffff  }
0x13f: {  	v36 =	vld [tilespmem:s20+$0xA280]  }
0x140: {  	[tilespmem:v43+s11+$0x0] =	vst.idx.add.f32.msk vm2, v41  }
0x141: {  	v37 =	vld.idx.msk [tilespmem:v18+s2+$0x0], $0xffff;
	v18 =	vmov v33  }
0x142: {  	v33 =	vld [tilespmem:s15+$0xA2E0]  }
0x143: {  	v35 =	vmul.f32 v12, v35;
	[tilespmem:v21+s11+$0x0] =	vst.idx.add.f32.msk vm0, v27  }
0x144: {  	v32 =	vmul.f32 v12, v32;
	[tilespmem:v21+s11+$0x0] =	vst.idx.add.f32.msk vm1, v27  }
0x145: {  	v38 =	vadd.s32 s21, v14;
	[tilespmem:v34+s11+$0x0] =	vst.idx.add.f32.msk $0xf, v35  }
0x146: {  	[tilespmem:v34+s11+$0x0] =	vst.idx.add.f32.msk vm0, v35  }
0x147: {  	v37 =	vmul.f32 v12, v37;
	[tilespmem:v34+s11+$0x0] =	vst.idx.add.f32.msk vm1, v35  }
0x148: {  	[tilespmem:v34+s11+$0x0] =	vst.idx.add.f32.msk vm2, v35  }
0x149: {  	v34 =	vld [tilespmem:s16+$0xA2A0]  }
0x14a: {  	v35 =	vld.idx.msk [tilespmem:v38+s2+$0x0], $0xffff  }
0x14b: {  	[tilespmem:v36+s11+$0x0] =	vst.idx.add.f32.msk $0xf, v32  }
0x14c: {  	[tilespmem:v36+s11+$0x0] =	vst.idx.add.f32.msk vm0, v32  }
0x14d: {  	[tilespmem:v36+s11+$0x0] =	vst.idx.add.f32.msk vm1, v32  }
0x14e: {  	[tilespmem:v36+s11+$0x0] =	vst.idx.add.f32.msk vm2, v32  }
0x14f: {  	v31 =	vld.idx.msk [tilespmem:v31+s2+$0x0], $0xffff  }
0x150: {  	v35 =	vmul.f32 v12, v35;
	v32 =	vld [tilespmem:s20+$0xA290]  }
0x151: {  	[tilespmem:v33+s11+$0x0] =	vst.idx.add.f32.msk $0xf, v37  }
0x152: {  	v36 =	vadd.s32 s21, v15;
	[tilespmem:v34+s11+$0x0] =	vst.idx.add.f32.msk $0xf, v35  }
0x153: {  	[tilespmem:v34+s11+$0x0] =	vst.idx.add.f32.msk vm0, v35  }
0x154: {  	[tilespmem:v34+s11+$0x0] =	vst.idx.add.f32.msk vm1, v35  }
0x155: {  	v31 =	vmul.f32 v12, v31;
	[tilespmem:v34+s11+$0x0] =	vst.idx.add.f32.msk vm2, v35  }
0x156: {  	v34 =	vld [tilespmem:s16+$0xA2B0]  }
0x157: {  	v35 =	vld.idx.msk [tilespmem:v36+s2+$0x0], $0xffff  }
0x158: {  	[tilespmem:v32+s11+$0x0] =	vst.idx.add.f32.msk $0xf, v31  }
0x159: {  	[tilespmem:v32+s11+$0x0] =	vst.idx.add.f32.msk vm0, v31  }
0x15a: {  	[tilespmem:v32+s11+$0x0] =	vst.idx.add.f32.msk vm1, v31  }
0x15b: {  	[tilespmem:v32+s11+$0x0] =	vst.idx.add.f32.msk vm2, v31  }
0x15c: {  	v30 =	vld.idx.msk [tilespmem:v30+s2+$0x0], $0xffff  }
0x15d: {  	v32 =	vmul.f32 v12, v35;
	v31 =	vld [tilespmem:s20+$0xA2A0]  }
0x15e: {  	v35 =	vadd.s32 s19, v2;
	[tilespmem:v33+s11+$0x0] =	vst.idx.add.f32.msk vm0, v37  }
0x15f: {  	v36 =	vadd.s32 s19, v3;
	[tilespmem:v34+s11+$0x0] =	vst.idx.add.f32.msk $0xf, v32  }
0x160: {  	v38 =	vadd.s32 s19, v4;
	[tilespmem:v34+s11+$0x0] =	vst.idx.add.f32.msk vm0, v32  }
0x161: {  	v39 =	vadd.s32 s19, v5;
	[tilespmem:v34+s11+$0x0] =	vst.idx.add.f32.msk vm1, v32  }
0x162: {  	v30 =	vmul.f32 v12, v30;
	[tilespmem:v34+s11+$0x0] =	vst.idx.add.f32.msk vm2, v32  }
0x163: {  	v32 =	vld.idx.msk [tilespmem:v35+s2+$0x0], $0xffff  }
0x164: {  	v34 =	vld.idx.msk [tilespmem:v36+s2+$0x0], $0xffff  }
0x165: {  	v35 =	vld.idx.msk [tilespmem:v38+s2+$0x0], $0xffff  }
0x166: {  	v36 =	vld.idx.msk [tilespmem:v39+s2+$0x0], $0xffff  }
0x167: {  	[tilespmem:v31+s11+$0x0] =	vst.idx.add.f32.msk $0xf, v30  }
0x168: {  	[tilespmem:v31+s11+$0x0] =	vst.idx.add.f32.msk vm0, v30  }
0x169: {  	[tilespmem:v31+s11+$0x0] =	vst.idx.add.f32.msk vm1, v30  }
0x16a: {  	[tilespmem:v31+s11+$0x0] =	vst.idx.add.f32.msk vm2, v30;
	v30 =	vadd.s32 s19, v0  }
0x16b: {  	v31 =	vmul.f32 $1.280000000e+02, v32;
	v32 =	vmul.f32 $1.280000000e+02, v34;
	v29 =	vld.idx.msk [tilespmem:v29+s2+$0x0], $0xffff  }
0x16c: {  	v35 =	vmul.f32 $1.280000000e+02, v35;
	v36 =	vmul.f32 $1.280000000e+02, v36;
	v34 =	vld [tilespmem:s20+$0xA2B0]  }
0x16d: {  	v31 =	vtrunc.f32 v31;
	v32 =	vtrunc.f32 v32;
	[tilespmem:v33+s11+$0x0] =	vst.idx.add.f32.msk vm1, v37  }
0x16e: {  	v35 =	vtrunc.f32 v35;
	v36 =	vtrunc.f32 v36;
	[tilespmem:v33+s11+$0x0] =	vst.idx.add.f32.msk vm2, v37  }
0x16f: {  	v31 =	vcvt.f32.s32 v31;
	v32 =	vcvt.f32.s32 v32;
	v33 =	vld.idx.msk [tilespmem:v30+s2+$0x0], $0xffff  }
0x170: {  	v35 =	vcvt.f32.s32 v35;
	v36 =	vcvt.f32.s32 v36;
	v37 =	vld.idx.msk [tilespmem:v17+s2+$0x0], $0xffff;
	v17 =	vmov v28  }
0x171: {  	s21 =	sadd.s32 $0x50, s16;
	v28 =	vmul.f32 v12, v29;
	v29 =	vmov s18;
	v38 =	vld [tilespmem:s15+$0xA2F0]  }
0x172: {  	v39 =	vadd.s32 s21, v6;
	vm4 =	vgt.s32 v35, v31;
	vm5 =	vgt.s32 v36, v32;
	[tilespmem:v21+s11+$0x0] =	vst.idx.add.f32.msk vm2, v27  }
0x173: {  	vm6 =	vlt.u32 v29, v7;
	vm4 =	vmand vm4, vm5;
	v21 =	vadd.s32 s21, v8  }
0x174: {  	vm4 =	vmand vm6, vm4;
	v27 =	vadd.s32 s21, v9;
	[tilespmem:v34+s11+$0x0] =	vst.idx.add.f32.msk $0xf, v28  }
0x175: {  	v32 =	vshll.u32 v32, $0x7;
	v29 =	vnsel vm4, $0x0, v33;
	v33 =	vadd.s32 s21, v10;
	[tilespmem:v34+s11+$0x0] =	vst.idx.add.f32.msk vm0, v28  }
0x176: {  	[tilespmem:v30+s2+$0x0] =	vst.idx.msk $0xffff, v29;
	v29 =	vadd.s32 v31, v32;
	v30 =	vmul.f32 v12, v37  }
0x177: {  	v36 =	vshll.u32 v36, $0x7;
	[tilespmem:v39+s10+$0x0] =	vst.idx.msk $0xffff, v29;
	v29 =	vadd.s32 v35, v32;
	v32 =	vadd.s32 s19, v11  }
0x178: {  	[tilespmem:v21+s10+$0x0] =	vst.idx.msk $0xffff, v29;
	v21 =	vadd.s32 v31, v36  }
0x179: {  	[tilespmem:v27+s10+$0x0] =	vst.idx.msk $0xffff, v21;
	v21 =	vadd.s32 v35, v36  }
0x17a: {  	[tilespmem:v33+s10+$0x0] =	vst.idx.msk $0xffff, v21  }
0x17b: {  	v21 =	vld [tilespmem:s16+$0xA2D0]  }
0x17c: {  	v27 =	vld.idx.msk [tilespmem:v32+s2+$0x0], $0xffff  }
0x17d: {  	[tilespmem:v34+s11+$0x0] =	vst.idx.add.f32.msk vm1, v28  }
0x17e: {  	[tilespmem:v34+s11+$0x0] =	vst.idx.add.f32.msk vm2, v28  }
0x17f: {  	v24 =	vld.idx.msk [tilespmem:v24+s2+$0x0], $0xffff  }
0x180: {  	v23 =	vld.idx.msk [tilespmem:v23+s2+$0x0], $0xffff  }
0x181: {  	v26 =	vld.idx.msk [tilespmem:v26+s2+$0x0], $0xffff  }
0x182: {  	v27 =	vmul.f32 v12, v27;
	v25 =	vld.idx.msk [tilespmem:v25+s2+$0x0], $0xffff  }
0x183: {  	v28 =	vld.idx.msk [tilespmem:v20+s2+$0x0], $0xffff  }
0x184: {  	v29 =	vadd.s32 s19, v13;
	[tilespmem:v21+s11+$0x0] =	vst.idx.add.f32.msk $0xf, v27  }
0x185: {  	v24 =	vmul.f32 $1.280000000e+02, v24;
	[tilespmem:v21+s11+$0x0] =	vst.idx.add.f32.msk vm0, v27  }
0x186: {  	v23 =	vmul.f32 $1.280000000e+02, v23;
	[tilespmem:v21+s11+$0x0] =	vst.idx.add.f32.msk vm1, v27  }
0x187: {  	v24 =	vtrunc.f32 v24;
	v26 =	vmul.f32 $1.280000000e+02, v26;
	[tilespmem:v21+s11+$0x0] =	vst.idx.add.f32.msk vm2, v27  }
0x188: {  	v21 =	vtrunc.f32 v23;
	v25 =	vmul.f32 $1.280000000e+02, v25;
	v23 =	vld [tilespmem:s16+$0xA2E0]  }
0x189: {  	v27 =	vcvt.f32.s32 v24;
	v24 =	vtrunc.f32 v26;
	v29 =	vld.idx.msk [tilespmem:v29+s2+$0x0], $0xffff  }
0x18a: {  	v21 =	vcvt.f32.s32 v21;
	v25 =	vtrunc.f32 v25;
	[tilespmem:v38+s11+$0x0] =	vst.idx.add.f32.msk $0xf, v30  }
0x18b: {  	v31 =	vcvt.f32.s32 v24;
	v24 =	vcvt.f32.s32 v25;
	[tilespmem:v38+s11+$0x0] =	vst.idx.add.f32.msk vm0, v30  }
0x18c: {  	s21 =	sadd.s32 $0x80, s15;
	v25 =	vshll.u32 v21, $0x7;
	[tilespmem:v38+s11+$0x0] =	vst.idx.add.f32.msk vm1, v30  }
0x18d: {  	s22 =	sand.u32 $0x40, s15;
	s15 =	smov.u32 s20;
	s21 =	sand.u32 $0x380, s21;
	vm4 =	vgt.s32 v31, v27;
	vm5 =	vgt.s32 v24, v21;
	v33 =	vshll.u32 v24, $0x7;
	[tilespmem:v38+s11+$0x0] =	vst.idx.add.f32.msk vm2, v30  }
0x18e: {  	s20 =	sor.u32 s22, s21;
	v26 =	vadd.s32 v27, v25;
	v25 =	vadd.s32 v31, v25;
	vm4 =	vmand vm4, vm5;
	v24 =	vld.idx.msk [tilespmem:v16+s2+$0x0], $0xffff;
	v16 =	vmovc v22  }
.Ltmp1:
0x18f: {  	vm3 =	vmand vm3, vm4;
	v22 =	vadd.s32 v27, v33;
	v27 =	vmul.f32 v12, v29;
	v21 =	vld [tilespmem:s20+$0xA280];
	(pc) =	sbr.rel @p0 .LBB2_4-.Ltmp1, $4  }
0x190: {  	s20 =	sadd.s32 $0x50, s15;
	v32 =	vnsel vm3, $0x0, v28;
	v28 =	vadd.s32 v31, v33  }
0x191: {  	v29 =	vadd.s32 s19, v14;
	v30 =	vadd.s32 s20, v6;
	[tilespmem:v23+s11+$0x0] =	vst.idx.add.f32.msk $0xf, v27  }
0x192: {  	v31 =	vadd.s32 s20, v8;
	[tilespmem:v23+s11+$0x0] =	vst.idx.add.f32.msk vm0, v27  }
0x193: {  	s19 =	sadd.s32 $0x140, s19;
	v33 =	vadd.s32 s20, v9;
	[tilespmem:v23+s11+$0x0] =	vst.idx.add.f32.msk vm1, v27  }
0x194: {  	_ =	sdelay $0x2  }
0x195: {  	v34 =	vadd.s32 s20, v10  }
0x196: {  	[tilespmem:v20+s2+$0x0] =	vst.idx.msk $0xffff, v32  }
0x197: {  	[tilespmem:v30+s10+$0x0] =	vst.idx.msk $0xffff, v26  }
0x198: {  	[tilespmem:v31+s10+$0x0] =	vst.idx.msk $0xffff, v25  }
0x199: {  	[tilespmem:v33+s10+$0x0] =	vst.idx.msk $0xffff, v22  }
0x19a: {  	[tilespmem:v34+s10+$0x0] =	vst.idx.msk $0xffff, v28  }
0x19b: {  	v20 =	vld [tilespmem:s15+$0xA2D0]  }
0x19c: {  	v19 =	vld.idx.msk [tilespmem:v19+s2+$0x0], $0xffff;
	_ =	sdelay $0x4  }
0x19d: {  	v19 =	vmul.f32 v12, v19;
	_ =	sdelay $0x1  }
0x19e: {  	[tilespmem:v20+s11+$0x0] =	vst.idx.add.f32.msk $0xf, v19  }
0x19f: {  	[tilespmem:v20+s11+$0x0] =	vst.idx.add.f32.msk vm0, v19  }
0x1a0: {  	[tilespmem:v20+s11+$0x0] =	vst.idx.add.f32.msk vm1, v19  }
0x1a1: {  	[tilespmem:v20+s11+$0x0] =	vst.idx.add.f32.msk vm2, v19  }
0x1a2: {  	v20 =	vld [tilespmem:s15+$0xA2E0]  }
0x1a3: {  	v18 =	vld.idx.msk [tilespmem:v18+s2+$0x0], $0xffff;
	_ =	sdelay $0x1  }
0x1a4: {  	[tilespmem:v23+s11+$0x0] =	vst.idx.add.f32.msk vm2, v27  }
0x1a5: {  	v63 =	vmul.f32 v12, v24;
	v59 =	vld [tilespmem:s16+$0xA2F0]  }
0x1a6: {  	v23 =	vld.idx.msk [tilespmem:v29+s2+$0x0], $0xffff  }
0x1a7: {  	[tilespmem:v21+s11+$0x0] =	vst.idx.add.f32.msk $0xf, v63;
	v18 =	vmul.f32 v12, v18  }
0x1a8: {  	[tilespmem:v21+s11+$0x0] =	vst.idx.add.f32.msk vm0, v63  }
0x1a9: {  	[tilespmem:v20+s11+$0x0] =	vst.idx.add.f32.msk $0xf, v18  }
0x1aa: {  	[tilespmem:v20+s11+$0x0] =	vst.idx.add.f32.msk vm0, v18  }
0x1ab: {  	[tilespmem:v20+s11+$0x0] =	vst.idx.add.f32.msk vm1, v18  }
0x1ac: {  	[tilespmem:v20+s11+$0x0] =	vst.idx.add.f32.msk vm2, v18  }
0x1ad: {  	v60 =	vmul.f32 v12, v23;
	v18 =	vld [tilespmem:s15+$0xA2F0]  }
0x1ae: {  	v61 =	vadd.s32 s14, v15;
	v17 =	vld.idx.msk [tilespmem:v17+s2+$0x0], $0xffff  }
0x1af: {  	[tilespmem:v59+s11+$0x0] =	vst.idx.add.f32.msk $0xf, v60  }
0x1b0: {  	[tilespmem:v59+s11+$0x0] =	vst.idx.add.f32.msk vm0, v60  }
0x1b1: {  	s28 =	sadd.s32 $0x80, s16;
	[tilespmem:v59+s11+$0x0] =	vst.idx.add.f32.msk vm1, v60  }
0x1b2: {  	s29 =	sand.u32 $0x60, s16;
	s14 =	sand.u32 $0x380, s28;
	[tilespmem:v59+s11+$0x0] =	vst.idx.add.f32.msk vm2, v60  }
0x1b3: {  	s14 =	sor.u32 s29, s14;
	v22 =	vld.idx.msk [tilespmem:v61+s2+$0x0], $0xffff;
	v17 =	vmul.f32 v12, v17  }
0x1b4: {  	v19 =	vld [tilespmem:s14+$0xA280]  }
0x1b5: {  	[tilespmem:v18+s11+$0x0] =	vst.idx.add.f32.msk $0xf, v17  }
0x1b6: {  	s30 =	sadd.s32 $0x80, s15;
	[tilespmem:v18+s11+$0x0] =	vst.idx.add.f32.msk vm0, v17  }
0x1b7: {  	s31 =	sand.u32 $0x40, s15;
	s14 =	sand.u32 $0x380, s30;
	[tilespmem:v18+s11+$0x0] =	vst.idx.add.f32.msk vm1, v17  }
0x1b8: {  	s14 =	sor.u32 s31, s14;
	[tilespmem:v18+s11+$0x0] =	vst.idx.add.f32.msk vm2, v17  }
0x1b9: {  	v17 =	vld [tilespmem:s14+$0xA280]  }
0x1ba: {  	v16 =	vld.idx.msk [tilespmem:v16+s2+$0x0], $0xffff  }
0x1bb: {  	[tilespmem:v21+s11+$0x0] =	vst.idx.add.f32.msk vm1, v63;
	v62 =	vmul.f32 v12, v22  }
0x1bc: {  	[tilespmem:v21+s11+$0x0] =	vst.idx.add.f32.msk vm2, v63  }
0x1bd: {  	[tilespmem:v19+s11+$0x0] =	vst.idx.add.f32.msk $0xf, v62  }
0x1be: {  	[tilespmem:v19+s11+$0x0] =	vst.idx.add.f32.msk vm0, v62  }
0x1bf: {  	[tilespmem:v19+s11+$0x0] =	vst.idx.add.f32.msk vm1, v62;
	v16 =	vmul.f32 v12, v16  }
0x1c0: {  	[tilespmem:v19+s11+$0x0] =	vst.idx.add.f32.msk vm2, v62  }
0x1c1: {  	[tilespmem:v17+s11+$0x0] =	vst.idx.add.f32.msk $0xf, v16  }
0x1c2: {  	s13 =	sadd.s32 $0x1, s13;
	[tilespmem:v17+s11+$0x0] =	vst.idx.add.f32.msk vm0, v16  }
0x1c3: {  	p0 =	sne.s32 s13, s5;
	[tilespmem:v17+s11+$0x0] =	vst.idx.add.f32.msk vm1, v16  }
.Ltmp2:
0x1c4: {  	[tilespmem:v17+s11+$0x0] =	vst.idx.add.f32.msk vm2, v16;
	(pc) =	sbr.rel @p0 .LBB2_1-.Ltmp2, $4  }
0x1c5: {  	[hbm4b:s4+s2] =	stream.linear.scatter [tilespmem:s11], [sflag:$0x2], $0x4000, $0x38;
	[tilespmem:$0xA580] =	vst v63  }
0x1c6: {  	_ =	swait.ge [sflag:s12], $0x4000  }
0x1c7: {  	[sflag:s12] =	ssyncset.done $0x0  }
0x1c8: {  	[sflag:s12] =	ssyncadd.s32 $0xFFFFC000  }
0x1c9: {  	_ =	sfence.sel $0x180000  }
0x1ca: {  	[bflag:$0x0] =	sbarrier.arrive $0xFFFF  }
0x1cb: {  	p0 =	sne.s32 s1, $0x0;
	_ =	strace $0x90000047  }
0x1cc: {  	s0 =	sadd.s32 @!p0 $0x100000, s0;
	[bflag:$0x2] =	sbarrier.arrive $0xFFFF  }
0x1cd: {  	[sflag:s0] =	ssyncadd.tile.s32 @!p0 $0x1;
	_ =	shalt  }
.Lfunc_end2:
_tile_overlayer_lowered:
.L_overlay_start_2:
0x1ce: {  	(tag) =	ssettag $0x2  }
0x1cf: {  	s0 =	rddreg [dreg:$0x0];
	s2 =	stileid.u32  }
0x1d0: {  	s1 =	rddreg [dreg:$0x1];
	p0 =	sne.s32 s2, $0x0  }
0x1d1: {  	s3 =	rddreg [dreg:$0x2];
	[bflag:$0x3] =	sbarrier.arrive $0xFFFF;
	s2 =	simm.s32 @!p0 $0x1C02  }
0x1d2: {  	[timem:s3], [sflag:s2] =	dma.local @!p0 [hbm:s0], s1  }
0x1d3: {  	s0 =	simm.s32 @!p0 $0x2  }
0x1d4: {  	_ =	swait.ge @!p0 [sflag:s0], s1  }
0x1d5: {  	s1 =	ssub.s32 @!p0 $0x0, s1;
	[sflag:s0] =	ssyncset.done @!p0 $0x0  }
0x1d6: {  	[sflag:s0] =	ssyncadd.s32 @!p0 s1  }
0x1d7: {  	[bflag:$0x3] =	sbarrier.arrive $0xFFFF  }
0x1d8: {  	_ =	shalt  }

</sc_bundles>
